<compile_context>
chip_gen: v7x
topology: tpu7x:2x2x1
jax: 0.10.2.dev20260603
libtpu: 0.0.44.dev20260713+nightly
codegen_flags: <defaults>
</compile_context>

<pallas_src>
import functools

import numpy as np
import jax
import jax.numpy as jnp
from jax import lax
from jax.experimental import pallas as pl
from jax.experimental.pallas import tpu as pltpu
from jax.experimental.pallas import tpu_sc as plsc

NC = 2
NS = 16
NW = NC * NS
CHUNK = 128


def _split(chunks, parts):
    per = -(-chunks // parts)
    per = ((per + 7) // 8) * 8
    full = chunks // per
    tail = chunks - full * per
    return per, full, tail


def _deg_kernel(n_pad, d, chunks):
    own = n_pad // NS
    per, full, tail = _split(chunks, NS)
    mesh = plsc.VectorSubcoreMesh(core_axis_name="c", subcore_axis_name="s",
                                  num_cores=NC, num_subcores=NS)

    @functools.partial(
        pl.kernel,
        out_type=jax.ShapeDtypeStruct((NC, n_pad, d), jnp.float32),
        mesh=mesh,
        scratch_types=[
            pltpu.VMEM((per, CHUNK), jnp.int32),
            pltpu.VMEM((CHUNK, d), jnp.float32),
            pltpu.VMEM_SHARED((n_pad, d), jnp.float32),
            pltpu.SemaphoreType.DMA,
        ],
    )
    def deg_k(edges_hbm, ones_hbm, zeros_hbm, out_hbm, idx_v, ones_v, deg_sh,
              sem):
        c = lax.axis_index("c")
        s = lax.axis_index("s")
        pltpu.sync_copy(ones_hbm, ones_v)

        @pl.when(s < full)
        def _():
            pltpu.sync_copy(edges_hbm.at[c, pl.ds(s * per, per)], idx_v)

        if tail:
            @pl.when(s == full)
            def _():
                pltpu.sync_copy(edges_hbm.at[c, pl.ds(full * per, tail)],
                                idx_v.at[pl.ds(0, tail)])

        cnt = jnp.where(s < full, per, jnp.where(s == full, tail, 0))
        pltpu.sync_copy(zeros_hbm, deg_sh.at[pl.ds(s * own, own)])
        plsc.subcore_barrier()

        def fire(j, carry):
            pltpu.async_copy(ones_v, deg_sh.at[idx_v.at[j]], sem, add=True)
            return carry

        lax.fori_loop(0, cnt, fire, 0)

        def drain(j, carry):
            pltpu.make_async_copy(ones_v, deg_sh.at[idx_v.at[j]], sem).wait()
            return carry

        lax.fori_loop(0, cnt, drain, 0)
        plsc.subcore_barrier()
        pltpu.sync_copy(deg_sh.at[pl.ds(s * own, own)],
                        out_hbm.at[c, pl.ds(s * own, own)])

    return deg_k


def _agg_kernel(n_pad, d, chunks):
    own = n_pad // NS
    per, full, tail = _split(chunks, NW)
    stage = per // 2
    mesh = plsc.VectorSubcoreMesh(core_axis_name="c", subcore_axis_name="s",
                                  num_cores=NC, num_subcores=NS)

    @functools.partial(
        pl.kernel,
        out_type=jax.ShapeDtypeStruct((NC, n_pad, d), jnp.float32),
        mesh=mesh,
        scratch_types=[
            pltpu.VMEM((stage, CHUNK), jnp.int32),
            pltpu.VMEM((stage, CHUNK), jnp.int32),
            pltpu.VMEM((CHUNK, d), jnp.float32),
            pltpu.VMEM((CHUNK, d), jnp.float32),
            pltpu.VMEM_SHARED((n_pad, d), jnp.float32),
            pltpu.SemaphoreType.DMA,
            pltpu.SemaphoreType.DMA,
        ],
    )
    def agg_k(edges_hbm, h_hbm, zeros_hbm, out_hbm,
              src_v, dst_v, buf_a, buf_b, agg_sh, sem_a, sem_b):
        c = lax.axis_index("c")
        s = lax.axis_index("s")
        w = c * NS + s
        pltpu.sync_copy(zeros_hbm, agg_sh.at[pl.ds(s * own, own)])
        plsc.subcore_barrier()

        def run_stage(base, sz):
            npairs = sz // 2
            pltpu.sync_copy(edges_hbm.at[0, pl.ds(base, sz)],
                            src_v.at[pl.ds(0, sz)])
            pltpu.sync_copy(edges_hbm.at[1, pl.ds(base, sz)],
                            dst_v.at[pl.ds(0, sz)])
            pltpu.async_copy(h_hbm.at[src_v.at[0]], buf_a, sem_a)
            pltpu.async_copy(h_hbm.at[src_v.at[1]], buf_b, sem_b)

            def body(g, carry):
                ja = 2 * g
                jb = 2 * g + 1
                pltpu.make_async_copy(h_hbm.at[src_v.at[ja]], buf_a,
                                      sem_a).wait()
                pltpu.sync_copy(buf_a, agg_sh.at[dst_v.at[ja]], add=True)

                @pl.when(g + 1 < npairs)
                def _():
                    pltpu.async_copy(h_hbm.at[src_v.at[ja + 2]], buf_a, sem_a)

                pltpu.make_async_copy(h_hbm.at[src_v.at[jb]], buf_b,
                                      sem_b).wait()
                pltpu.sync_copy(buf_b, agg_sh.at[dst_v.at[jb]], add=True)

                @pl.when(g + 1 < npairs)
                def _():
                    pltpu.async_copy(h_hbm.at[src_v.at[jb + 2]], buf_b, sem_b)

                return carry

            lax.fori_loop(0, npairs, body, 0)

        @pl.when(w < full)
        def _():
            run_stage(w * per, stage)
            run_stage(w * per + stage, stage)

        if tail:
            @pl.when(w == full)
            def _():
                run_stage(full * per, tail)

        plsc.subcore_barrier()
        pltpu.sync_copy(agg_sh.at[pl.ds(s * own, own)],
                        out_hbm.at[c, pl.ds(s * own, own)])

    return agg_k


def _scale_call(deg, feats, n_pad, d, blk):
    def k2(dg_ref, ft_ref, out_ref):
        norm = lax.rsqrt(jnp.maximum(dg_ref[0, :, 0:1], 1.0))
        out_ref[...] = ft_ref[...] * norm

    return pl.pallas_call(
        k2,
        grid=(n_pad // blk,),
        in_specs=[pl.BlockSpec((1, blk, d), lambda i: (0, i, 0)),
                  pl.BlockSpec((blk, d), lambda i: (i, 0))],
        out_specs=pl.BlockSpec((blk, d), lambda i: (i, 0)),
        out_shape=jax.ShapeDtypeStruct((n_pad, d), jnp.float32),
    )(deg, feats)


def _linear_call(parts, deg, feats, W, b2, n, n_pad, d, blk):
    def k4a(pp_ref, dg_ref, ft_ref, w_ref, b_ref, h_ref, st_ref):
        i = pl.program_id(0)
        nd = lax.rsqrt(jnp.maximum(dg_ref[0, :, 0:1], 1.0))
        agg = (pp_ref[0] + pp_ref[1]) * nd
        h = jnp.dot(agg, w_ref[...], preferred_element_type=jnp.float32)
        h = h + b_ref[...] + ft_ref[...]
        h_ref[...] = h
        rows = i * blk + lax.broadcasted_iota(jnp.int32, (blk, 1), 0)
        hm = jnp.where(rows < n, h, 0.0)
        s1 = jnp.sum(hm, axis=0, keepdims=True)
        s2 = jnp.sum(hm * hm, axis=0, keepdims=True)
        st = jnp.concatenate([s1, s2], axis=0)

        @pl.when(i == 0)
        def _():
            st_ref[...] = st

        @pl.when(i > 0)
        def _():
            st_ref[...] = st_ref[...] + st

    return pl.pallas_call(
        k4a,
        grid=(n_pad // blk,),
        in_specs=[pl.BlockSpec((2, blk, d), lambda i: (0, i, 0)),
                  pl.BlockSpec((1, blk, d), lambda i: (1, i, 0)),
                  pl.BlockSpec((blk, d), lambda i: (i, 0)),
                  pl.BlockSpec((d, d), lambda i: (0, 0)),
                  pl.BlockSpec((1, d), lambda i: (0, 0))],
        out_specs=[pl.BlockSpec((blk, d), lambda i: (i, 0)),
                   pl.BlockSpec((2, d), lambda i: (0, 0))],
        out_shape=[jax.ShapeDtypeStruct((n_pad, d), jnp.float32),
                   jax.ShapeDtypeStruct((2, d), jnp.float32)],
    )(parts, deg, feats, W, b2)


def _bn_call(h, stats, gamma2, beta2, n, n_pad, d, blk):
    def k4b(h_ref, st_ref, g_ref, bt_ref, out_ref):
        inv_n = 1.0 / n
        mean = st_ref[0:1, :] * inv_n
        var = st_ref[1:2, :] * inv_n - mean * mean
        inv = lax.rsqrt(var + 1e-5)
        out_ref[...] = (h_ref[...] - mean) * (inv * g_ref[...]) + bt_ref[...]

    return pl.pallas_call(
        k4b,
        grid=(n_pad // blk,),
        in_specs=[pl.BlockSpec((blk, d), lambda i: (i, 0)),
                  pl.BlockSpec((2, d), lambda i: (0, 0)),
                  pl.BlockSpec((1, d), lambda i: (0, 0)),
                  pl.BlockSpec((1, d), lambda i: (0, 0))],
        out_specs=pl.BlockSpec((blk, d), lambda i: (i, 0)),
        out_shape=jax.ShapeDtypeStruct((n, d), jnp.float32),
    )(h, stats, gamma2, beta2)


@jax.jit
def kernel(feats, edge_index, W, b, gamma, beta):
    n, d = feats.shape
    e = edge_index.shape[1]

    n_unit = 8 * NS
    n_pad = ((n + 1 + n_unit - 1) // n_unit) * n_unit

    if e % CHUNK:
        pad = CHUNK - e % CHUNK
        sent = n + jnp.arange(pad, dtype=jnp.int32) % (n_pad - n)
        edge_index = jnp.concatenate([edge_index, jnp.stack([sent, sent])],
                                     axis=1)
        e += pad
    chunks = e // CHUNK
    edges = edge_index.reshape(2, chunks, CHUNK)

    ones_rows = jnp.asarray(np.ones((CHUNK, d), dtype=np.float32))
    zeros_agg = jnp.asarray(np.zeros((n_pad // NS, d), dtype=np.float32))

    deg = _deg_kernel(n_pad, d, chunks)(edges, ones_rows, zeros_agg)

    blk = n_pad // 4
    h_scaled = _scale_call(deg, feats, n_pad, d, blk)

    parts = _agg_kernel(n_pad, d, chunks)(edges, h_scaled, zeros_agg)

    b2 = b.reshape(1, d)
    gamma2 = gamma.reshape(1, d)
    beta2 = beta.reshape(1, d)
    h, stats = _linear_call(parts, deg, feats, W, b2, n, n_pad, d, blk)
    return _bn_call(h, stats, gamma2, beta2, n, n_pad, d, blk)

# --- scband reference (transcript-rebuilt; emitter-appended) ---
"""Pipeline reference for scband-gcnlayer-56968446214792 (READ-ONLY COPY).

The authoritative reference and input builder live on the scoring server;
editing this copy changes nothing except your own understanding.
"""

import jax, jax.numpy as jnp
import numpy as np

N_NODES = 10000
N_EDGES = 320000
D = 128


def setup_inputs(seed: int = 0) -> dict:
    key = jax.random.key(seed)
    k1, k2, k3 = jax.random.split(key, 3)
    feats = jax.random.normal(k1, (N_NODES, D), dtype=jnp.float32)
    edge_index = jax.random.randint(k2, (2, N_EDGES), 0, N_NODES, dtype=jnp.int32)
    # Learned parameters: GraphConv weight/bias (xavier-ish init), BatchNorm affine params
    W = jax.random.normal(k3, (D, D), dtype=jnp.float32) * (1.0 / np.sqrt(D))
    b = jnp.zeros((D,), dtype=jnp.float32)
    gamma = jnp.ones((D,), dtype=jnp.float32)
    beta = jnp.zeros((D,), dtype=jnp.float32)
    return {"feats": feats, "edge_index": edge_index, "W": W, "b": b, "gamma": gamma, "beta": beta}


def reference(feats, edge_index, W, b, gamma, beta):
    # DGL GraphConv with norm='both': h = D_in^{-1/2} A D_out^{-1/2} X W + b
    src = edge_index[0]
    dst = edge_index[1]
    n = feats.shape[0]
    ones_e = jnp.ones((src.shape[0],), dtype=feats.dtype)
    deg_out = jnp.zeros((n,), dtype=feats.dtype).at[src].add(ones_e)
    deg_in = jnp.zeros((n,), dtype=feats.dtype).at[dst].add(ones_e)
    norm_src = jnp.power(jnp.maximum(deg_out, 1.0), -0.5)
    norm_dst = jnp.power(jnp.maximum(deg_in, 1.0), -0.5)
    h = feats * norm_src[:, None]
    # message passing: gather from src, scatter-add into dst
    msgs = jnp.take(h, src, axis=0)
    agg = jax.ops.segment_sum(msgs, dst, num_segments=n)
    h = agg * norm_dst[:, None]
    h = h @ W + b
    # activation is None; residual with in_feats == out_feats -> Identity
    h = h + feats
    # dropout p=0 -> no-op
    # BatchNorm1d (training mode, batch statistics, biased variance, eps=1e-5)
    mean = jnp.mean(h, axis=0)
    var = jnp.var(h, axis=0)
    h = (h - mean) / jnp.sqrt(var + 1e-5) * gamma + beta
    return h

if __name__ == "__main__":
    import jax
    _d = setup_inputs()
    print(jax.jit(kernel)(*tuple(_d.values())))

</pallas_src>

<mosaic_0001>
#map = affine_map<(d0, d1) -> (0, 0, 0)>
#map1 = affine_map<(d0, d1) -> (0, 0)>
module attributes {stable_mosaic.version = 14 : i64} {
  func.func @deg_k(%arg0: i32, %arg1: i32, %arg2: memref<2x2500x128xi32, #tpu.memory_space<hbm>>, %arg3: memref<128x128xf32, #tpu.memory_space<hbm>>, %arg4: memref<632x128xf32, #tpu.memory_space<hbm>>, %arg5: memref<2x10112x128xf32, #tpu.memory_space<hbm>>, %arg6: memref<160x128xi32, #tpu.memory_space<vmem>>, %arg7: memref<128x128xf32, #tpu.memory_space<vmem>>, %arg8: memref<10112x128xf32, #tpu.memory_space<vmem_shared>>, %arg9: memref<!tpu.dma_semaphore, #tpu.memory_space<semaphore_mem>>) attributes {dimension_semantics = [#tpu.dimension_semantics<core_parallel>, #tpu.dimension_semantics<subcore_parallel>], iteration_bounds = array<i64: 2, 16>, scalar_prefetch = 0 : i64, scratch_operands = 4 : i64, tpu.core_type = #tpu.core_type<sc_vector_subcore>, window_params = [{transform_indices = #map}, {transform_indices = #map1}, {transform_indices = #map1}, {transform_indices = #map}]} {
    "tpu.region"() ({
      %run_scoped3A = tpu.sem_alloc : memref<!tpu.dma_semaphore, #tpu.memory_space<semaphore_mem>>
      tpu.enqueue_dma source(%arg3 : memref<128x128xf32, #tpu.memory_space<hbm>>) target(%arg7 : memref<128x128xf32, #tpu.memory_space<vmem>>) target_semaphore(%run_scoped3A : memref<!tpu.dma_semaphore, #tpu.memory_space<semaphore_mem>>)
      tpu.wait_dma2 semaphore(%run_scoped3A : memref<!tpu.dma_semaphore, #tpu.memory_space<semaphore_mem>>) src(%arg3 : memref<128x128xf32, #tpu.memory_space<hbm>>) dst(%arg7 : memref<128x128xf32, #tpu.memory_space<vmem>>)
      tpu.yield
    }) : () -> ()
    %lt3A = arith.constant 15 : i32
    %lt3A_0 = arith.cmpi slt, %arg1, %lt3A : i32
    %convert_element_type3A = arith.extui %lt3A_0 : i1 to i32
    %cond3A = arith.constant 0 : i32
    %cond3A_1 = arith.cmpi ne, %convert_element_type3A, %cond3A : i32
    scf.if %cond3A_1 {
      %mul3A_38 = arith.constant 160 : i32
      %mul3A_39 = arith.muli %arg1, %mul3A_38 : i32
      "tpu.region"() ({
        %run_scoped3A = tpu.sem_alloc : memref<!tpu.dma_semaphore, #tpu.memory_space<semaphore_mem>>
        %dma_start3A = arith.constant 0 : i32
        %dma_start3A_40 = tpu.memref_slice %arg2[%arg0, %mul3A_39, %dma_start3A] : memref<2x2500x128xi32, #tpu.memory_space<hbm>> -> memref<1x160x128xi32, #tpu.memory_space<hbm>>
        %dma_start3A_41 = tpu.memref_squeeze %dma_start3A_40 : memref<1x160x128xi32, #tpu.memory_space<hbm>> -> memref<160x128xi32, #tpu.memory_space<hbm>>
        %dma_start3A_42 = arith.constant 0 : i32
        %dma_start3A_43 = tpu.memref_slice %arg2[%arg0, %mul3A_39, %dma_start3A_42] : memref<2x2500x128xi32, #tpu.memory_space<hbm>> -> memref<1x160x128xi32, #tpu.memory_space<hbm>>
        %dma_start3A_44 = tpu.memref_squeeze %dma_start3A_43 : memref<1x160x128xi32, #tpu.memory_space<hbm>> -> memref<160x128xi32, #tpu.memory_space<hbm>>
        tpu.enqueue_dma source(%dma_start3A_44 : memref<160x128xi32, #tpu.memory_space<hbm>>) target(%arg6 : memref<160x128xi32, #tpu.memory_space<vmem>>) target_semaphore(%run_scoped3A : memref<!tpu.dma_semaphore, #tpu.memory_space<semaphore_mem>>)
        %dma_wait3A = arith.constant 0 : i32
        %dma_wait3A_45 = tpu.memref_slice %arg2[%arg0, %mul3A_39, %dma_wait3A] : memref<2x2500x128xi32, #tpu.memory_space<hbm>> -> memref<1x160x128xi32, #tpu.memory_space<hbm>>
        %dma_wait3A_46 = tpu.memref_squeeze %dma_wait3A_45 : memref<1x160x128xi32, #tpu.memory_space<hbm>> -> memref<160x128xi32, #tpu.memory_space<hbm>>
        %dma_wait3A_47 = arith.constant 0 : i32
        %dma_wait3A_48 = tpu.memref_slice %arg2[%arg0, %mul3A_39, %dma_wait3A_47] : memref<2x2500x128xi32, #tpu.memory_space<hbm>> -> memref<1x160x128xi32, #tpu.memory_space<hbm>>
        %dma_wait3A_49 = tpu.memref_squeeze %dma_wait3A_48 : memref<1x160x128xi32, #tpu.memory_space<hbm>> -> memref<160x128xi32, #tpu.memory_space<hbm>>
        tpu.wait_dma2 semaphore(%run_scoped3A : memref<!tpu.dma_semaphore, #tpu.memory_space<semaphore_mem>>) src(%dma_wait3A_49 : memref<160x128xi32, #tpu.memory_space<hbm>>) dst(%arg6 : memref<160x128xi32, #tpu.memory_space<vmem>>)
        tpu.yield
      }) : () -> ()
    } else {
    }
    %eq3A = arith.constant 15 : i32
    %eq3A_2 = arith.cmpi eq, %arg1, %eq3A : i32
    %convert_element_type3A_3 = arith.extui %eq3A_2 : i1 to i32
    %cond3A_4 = arith.constant 0 : i32
    %cond3A_5 = arith.cmpi ne, %convert_element_type3A_3, %cond3A_4 : i32
    scf.if %cond3A_5 {
      "tpu.region"() ({
        %run_scoped3A = tpu.sem_alloc : memref<!tpu.dma_semaphore, #tpu.memory_space<semaphore_mem>>
        %dma_start3A = arith.constant 0 : i32
        %dma_start3A_38 = arith.constant 0 : i32
        %dma_start3A_39 = tpu.memref_slice %arg6[%dma_start3A, %dma_start3A_38] : memref<160x128xi32, #tpu.memory_space<vmem>> -> memref<100x128xi32, #tpu.memory_space<vmem>>
        %dma_start3A_40 = arith.constant 2400 : i32
        %dma_start3A_41 = arith.constant 0 : i32
        %dma_start3A_42 = tpu.memref_slice %arg2[%arg0, %dma_start3A_40, %dma_start3A_41] : memref<2x2500x128xi32, #tpu.memory_space<hbm>> -> memref<1x100x128xi32, #tpu.memory_space<hbm>>
        %dma_start3A_43 = tpu.memref_squeeze %dma_start3A_42 : memref<1x100x128xi32, #tpu.memory_space<hbm>> -> memref<100x128xi32, #tpu.memory_space<hbm>>
        %dma_start3A_44 = arith.constant 0 : i32
        %dma_start3A_45 = arith.constant 0 : i32
        %dma_start3A_46 = tpu.memref_slice %arg6[%dma_start3A_44, %dma_start3A_45] : memref<160x128xi32, #tpu.memory_space<vmem>> -> memref<100x128xi32, #tpu.memory_space<vmem>>
        %dma_start3A_47 = arith.constant 2400 : i32
        %dma_start3A_48 = arith.constant 0 : i32
        %dma_start3A_49 = tpu.memref_slice %arg2[%arg0, %dma_start3A_47, %dma_start3A_48] : memref<2x2500x128xi32, #tpu.memory_space<hbm>> -> memref<1x100x128xi32, #tpu.memory_space<hbm>>
        %dma_start3A_50 = tpu.memref_squeeze %dma_start3A_49 : memref<1x100x128xi32, #tpu.memory_space<hbm>> -> memref<100x128xi32, #tpu.memory_space<hbm>>
        tpu.enqueue_dma source(%dma_start3A_50 : memref<100x128xi32, #tpu.memory_space<hbm>>) target(%dma_start3A_46 : memref<100x128xi32, #tpu.memory_space<vmem>>) target_semaphore(%run_scoped3A : memref<!tpu.dma_semaphore, #tpu.memory_space<semaphore_mem>>)
        %dma_wait3A = arith.constant 0 : i32
        %dma_wait3A_51 = arith.constant 0 : i32
        %dma_wait3A_52 = tpu.memref_slice %arg6[%dma_wait3A, %dma_wait3A_51] : memref<160x128xi32, #tpu.memory_space<vmem>> -> memref<100x128xi32, #tpu.memory_space<vmem>>
        %dma_wait3A_53 = arith.constant 2400 : i32
        %dma_wait3A_54 = arith.constant 0 : i32
        %dma_wait3A_55 = tpu.memref_slice %arg2[%arg0, %dma_wait3A_53, %dma_wait3A_54] : memref<2x2500x128xi32, #tpu.memory_space<hbm>> -> memref<1x100x128xi32, #tpu.memory_space<hbm>>
        %dma_wait3A_56 = tpu.memref_squeeze %dma_wait3A_55 : memref<1x100x128xi32, #tpu.memory_space<hbm>> -> memref<100x128xi32, #tpu.memory_space<hbm>>
        %dma_wait3A_57 = arith.constant 0 : i32
        %dma_wait3A_58 = arith.constant 0 : i32
        %dma_wait3A_59 = tpu.memref_slice %arg6[%dma_wait3A_57, %dma_wait3A_58] : memref<160x128xi32, #tpu.memory_space<vmem>> -> memref<100x128xi32, #tpu.memory_space<vmem>>
        %dma_wait3A_60 = arith.constant 2400 : i32
        %dma_wait3A_61 = arith.constant 0 : i32
        %dma_wait3A_62 = tpu.memref_slice %arg2[%arg0, %dma_wait3A_60, %dma_wait3A_61] : memref<2x2500x128xi32, #tpu.memory_space<hbm>> -> memref<1x100x128xi32, #tpu.memory_space<hbm>>
        %dma_wait3A_63 = tpu.memref_squeeze %dma_wait3A_62 : memref<1x100x128xi32, #tpu.memory_space<hbm>> -> memref<100x128xi32, #tpu.memory_space<hbm>>
        tpu.wait_dma2 semaphore(%run_scoped3A : memref<!tpu.dma_semaphore, #tpu.memory_space<semaphore_mem>>) src(%dma_wait3A_63 : memref<100x128xi32, #tpu.memory_space<hbm>>) dst(%dma_wait3A_59 : memref<100x128xi32, #tpu.memory_space<vmem>>)
        tpu.yield
      }) : () -> ()
    } else {
    }
    %lt3A_6 = arith.constant 15 : i32
    %lt3A_7 = arith.cmpi slt, %arg1, %lt3A_6 : i32
    %eq3A_8 = arith.constant 15 : i32
    %eq3A_9 = arith.cmpi eq, %arg1, %eq3A_8 : i32
    %jit3A = arith.constant 100 : i32
    %jit3A_10 = arith.constant 0 : i32
    %select_n3A = arith.select %eq3A_9, %jit3A, %jit3A_10 : i32
    %jit3A_11 = arith.constant 160 : i32
    %select_n3A_12 = arith.select %lt3A_7, %jit3A_11, %select_n3A : i32
    %mul3A = arith.constant 632 : i32
    %mul3A_13 = arith.muli %arg1, %mul3A : i32
    "tpu.region"() ({
      %run_scoped3A = tpu.sem_alloc : memref<!tpu.dma_semaphore, #tpu.memory_space<semaphore_mem>>
      %dma_start3A = arith.constant 0 : i32
      %dma_start3A_38 = tpu.memref_slice %arg8[%mul3A_13, %dma_start3A] : memref<10112x128xf32, #tpu.memory_space<vmem_shared>> -> memref<632x128xf32, #tpu.memory_space<vmem_shared>>
      tpu.enqueue_dma source(%arg4 : memref<632x128xf32, #tpu.memory_space<hbm>>) target(%dma_start3A_38 : memref<632x128xf32, #tpu.memory_space<vmem_shared>>) target_semaphore(%run_scoped3A : memref<!tpu.dma_semaphore, #tpu.memory_space<semaphore_mem>>)
      %dma_wait3A = arith.constant 0 : i32
      %dma_wait3A_39 = tpu.memref_slice %arg8[%mul3A_13, %dma_wait3A] : memref<10112x128xf32, #tpu.memory_space<vmem_shared>> -> memref<632x128xf32, #tpu.memory_space<vmem_shared>>
      tpu.wait_dma2 semaphore(%run_scoped3A : memref<!tpu.dma_semaphore, #tpu.memory_space<semaphore_mem>>) src(%arg4 : memref<632x128xf32, #tpu.memory_space<hbm>>) dst(%dma_wait3A_39 : memref<632x128xf32, #tpu.memory_space<vmem_shared>>)
      tpu.yield
    }) : () -> ()
    %barrier3A = arith.constant 0 : index
    tpu.barrier barrier_id(%barrier3A)
    %while3A = arith.constant 0 : i32
    %while3A_14 = arith.constant 0 : i32
    %while3A_15 = arith.subi %select_n3A_12, %while3A_14 : i32
    %while3A_16 = arith.addi %while3A_14, %while3A_15 : i32
    %while3A_17 = arith.constant 1 : i32
    %while3A_18 = arith.divsi %while3A_15, %while3A_17 : i32
    %while3A_19 = arith.muli %while3A_18, %while3A_17 : i32
    %while3A_20 = arith.addi %while3A_14, %while3A_19 : i32
    %while3A_21 = arith.constant 1 : i32
    scf.for %while3A_38 = %while3A_14 to %while3A_20 step %while3A_21  : i32 {
      %dma_start3A = arith.constant 0 : i32
      %dma_start3A_39 = tpu.memref_slice %arg6[%while3A_38, %dma_start3A] : memref<160x128xi32, #tpu.memory_space<vmem>> -> memref<1x128xi32, #tpu.memory_space<vmem>>
      %dma_start3A_40 = tpu.memref_squeeze %dma_start3A_39 : memref<1x128xi32, #tpu.memory_space<vmem>> -> memref<128xi32, #tpu.memory_space<vmem>>
      %dma_start3A_41 = arith.constant 0 : i32
      %dma_start3A_42 = arith.constant 0 : i32
      %dma_start3A_43 = tpu.memref_slice %arg8[%dma_start3A_41, %dma_start3A_42] : memref<10112x128xf32, #tpu.memory_space<vmem_shared>> -> memref<10112x128xf32, #tpu.memory_space<vmem_shared>>
      tpu.enqueue_indirect_dma source(%arg7 : memref<128x128xf32, #tpu.memory_space<vmem>>) target(%dma_start3A_43 : memref<10112x128xf32, #tpu.memory_space<vmem_shared>>) offsets(%dma_start3A_40 : memref<128xi32, #tpu.memory_space<vmem>>) semaphore(%arg9 : memref<!tpu.dma_semaphore, #tpu.memory_space<semaphore_mem>>) {add = true}
    }
    %while3A_22 = arith.constant 1 : i32
    scf.for %while3A_38 = %while3A_20 to %while3A_16 step %while3A_22  : i32 {
      %dma_start3A = arith.constant 0 : i32
      %dma_start3A_39 = tpu.memref_slice %arg6[%while3A_38, %dma_start3A] : memref<160x128xi32, #tpu.memory_space<vmem>> -> memref<1x128xi32, #tpu.memory_space<vmem>>
      %dma_start3A_40 = tpu.memref_squeeze %dma_start3A_39 : memref<1x128xi32, #tpu.memory_space<vmem>> -> memref<128xi32, #tpu.memory_space<vmem>>
      %dma_start3A_41 = arith.constant 0 : i32
      %dma_start3A_42 = arith.constant 0 : i32
      %dma_start3A_43 = tpu.memref_slice %arg8[%dma_start3A_41, %dma_start3A_42] : memref<10112x128xf32, #tpu.memory_space<vmem_shared>> -> memref<10112x128xf32, #tpu.memory_space<vmem_shared>>
      tpu.enqueue_indirect_dma source(%arg7 : memref<128x128xf32, #tpu.memory_space<vmem>>) target(%dma_start3A_43 : memref<10112x128xf32, #tpu.memory_space<vmem_shared>>) offsets(%dma_start3A_40 : memref<128xi32, #tpu.memory_space<vmem>>) semaphore(%arg9 : memref<!tpu.dma_semaphore, #tpu.memory_space<semaphore_mem>>) {add = true}
    }
    %while3A_23 = arith.constant 0 : i32
    %while3A_24 = arith.constant 0 : i32
    %while3A_25 = arith.subi %select_n3A_12, %while3A_24 : i32
    %while3A_26 = arith.addi %while3A_24, %while3A_25 : i32
    %while3A_27 = arith.constant 1 : i32
    %while3A_28 = arith.divsi %while3A_25, %while3A_27 : i32
    %while3A_29 = arith.muli %while3A_28, %while3A_27 : i32
    %while3A_30 = arith.addi %while3A_24, %while3A_29 : i32
    %while3A_31 = arith.constant 1 : i32
    scf.for %while3A_38 = %while3A_24 to %while3A_30 step %while3A_31  : i32 {
      %dma_wait3A = arith.constant 0 : i32
      %dma_wait3A_39 = tpu.memref_slice %arg6[%while3A_38, %dma_wait3A] : memref<160x128xi32, #tpu.memory_space<vmem>> -> memref<1x128xi32, #tpu.memory_space<vmem>>
      %dma_wait3A_40 = tpu.memref_squeeze %dma_wait3A_39 : memref<1x128xi32, #tpu.memory_space<vmem>> -> memref<128xi32, #tpu.memory_space<vmem>>
      %dma_wait3A_41 = arith.constant 0 : i32
      %dma_wait3A_42 = arith.constant 0 : i32
      %dma_wait3A_43 = tpu.memref_slice %arg8[%dma_wait3A_41, %dma_wait3A_42] : memref<10112x128xf32, #tpu.memory_space<vmem_shared>> -> memref<10112x128xf32, #tpu.memory_space<vmem_shared>>
      tpu.wait_indirect_dma semaphore(%arg9 : memref<!tpu.dma_semaphore, #tpu.memory_space<semaphore_mem>>) src(%arg7 : memref<128x128xf32, #tpu.memory_space<vmem>>) dst(%dma_wait3A_43 : memref<10112x128xf32, #tpu.memory_space<vmem_shared>>)
    }
    %while3A_32 = arith.constant 1 : i32
    scf.for %while3A_38 = %while3A_30 to %while3A_26 step %while3A_32  : i32 {
      %dma_wait3A = arith.constant 0 : i32
      %dma_wait3A_39 = tpu.memref_slice %arg6[%while3A_38, %dma_wait3A] : memref<160x128xi32, #tpu.memory_space<vmem>> -> memref<1x128xi32, #tpu.memory_space<vmem>>
      %dma_wait3A_40 = tpu.memref_squeeze %dma_wait3A_39 : memref<1x128xi32, #tpu.memory_space<vmem>> -> memref<128xi32, #tpu.memory_space<vmem>>
      %dma_wait3A_41 = arith.constant 0 : i32
      %dma_wait3A_42 = arith.constant 0 : i32
      %dma_wait3A_43 = tpu.memref_slice %arg8[%dma_wait3A_41, %dma_wait3A_42] : memref<10112x128xf32, #tpu.memory_space<vmem_shared>> -> memref<10112x128xf32, #tpu.memory_space<vmem_shared>>
      tpu.wait_indirect_dma semaphore(%arg9 : memref<!tpu.dma_semaphore, #tpu.memory_space<semaphore_mem>>) src(%arg7 : memref<128x128xf32, #tpu.memory_space<vmem>>) dst(%dma_wait3A_43 : memref<10112x128xf32, #tpu.memory_space<vmem_shared>>)
    }
    %barrier3A_33 = arith.constant 0 : index
    tpu.barrier barrier_id(%barrier3A_33)
    %mul3A_34 = arith.constant 632 : i32
    %mul3A_35 = arith.muli %arg1, %mul3A_34 : i32
    %mul3A_36 = arith.constant 632 : i32
    %mul3A_37 = arith.muli %arg1, %mul3A_36 : i32
    "tpu.region"() ({
      %run_scoped3A = tpu.sem_alloc : memref<!tpu.dma_semaphore, #tpu.memory_space<semaphore_mem>>
      %dma_start3A = arith.constant 0 : i32
      %dma_start3A_38 = tpu.memref_slice %arg5[%arg0, %mul3A_37, %dma_start3A] : memref<2x10112x128xf32, #tpu.memory_space<hbm>> -> memref<1x632x128xf32, #tpu.memory_space<hbm>>
      %dma_start3A_39 = tpu.memref_squeeze %dma_start3A_38 : memref<1x632x128xf32, #tpu.memory_space<hbm>> -> memref<632x128xf32, #tpu.memory_space<hbm>>
      %dma_start3A_40 = arith.constant 0 : i32
      %dma_start3A_41 = tpu.memref_slice %arg8[%mul3A_35, %dma_start3A_40] : memref<10112x128xf32, #tpu.memory_space<vmem_shared>> -> memref<632x128xf32, #tpu.memory_space<vmem_shared>>
      tpu.enqueue_dma source(%dma_start3A_41 : memref<632x128xf32, #tpu.memory_space<vmem_shared>>) target(%dma_start3A_39 : memref<632x128xf32, #tpu.memory_space<hbm>>) target_semaphore(%run_scoped3A : memref<!tpu.dma_semaphore, #tpu.memory_space<semaphore_mem>>)
      %dma_wait3A = arith.constant 0 : i32
      %dma_wait3A_42 = tpu.memref_slice %arg5[%arg0, %mul3A_37, %dma_wait3A] : memref<2x10112x128xf32, #tpu.memory_space<hbm>> -> memref<1x632x128xf32, #tpu.memory_space<hbm>>
      %dma_wait3A_43 = tpu.memref_squeeze %dma_wait3A_42 : memref<1x632x128xf32, #tpu.memory_space<hbm>> -> memref<632x128xf32, #tpu.memory_space<hbm>>
      %dma_wait3A_44 = arith.constant 0 : i32
      %dma_wait3A_45 = tpu.memref_slice %arg8[%mul3A_35, %dma_wait3A_44] : memref<10112x128xf32, #tpu.memory_space<vmem_shared>> -> memref<632x128xf32, #tpu.memory_space<vmem_shared>>
      tpu.wait_dma2 semaphore(%run_scoped3A : memref<!tpu.dma_semaphore, #tpu.memory_space<semaphore_mem>>) src(%dma_wait3A_45 : memref<632x128xf32, #tpu.memory_space<vmem_shared>>) dst(%dma_wait3A_43 : memref<632x128xf32, #tpu.memory_space<hbm>>)
      tpu.yield
    }) : () -> ()
    return
  }
}

#map = affine_map<(d0, d1) -> (0, 0, 0)>
#map1 = affine_map<(d0, d1) -> (0, 0)>
module attributes {stable_mosaic.version = 14 : i64} {
  func.func @agg_k(%arg0: i32, %arg1: i32, %arg2: memref<2x2500x128xi32, #tpu.memory_space<hbm>>, %arg3: memref<10112x128xf32, #tpu.memory_space<hbm>>, %arg4: memref<632x128xf32, #tpu.memory_space<hbm>>, %arg5: memref<2x10112x128xf32, #tpu.memory_space<hbm>>, %arg6: memref<40x128xi32, #tpu.memory_space<vmem>>, %arg7: memref<40x128xi32, #tpu.memory_space<vmem>>, %arg8: memref<128x128xf32, #tpu.memory_space<vmem>>, %arg9: memref<128x128xf32, #tpu.memory_space<vmem>>, %arg10: memref<10112x128xf32, #tpu.memory_space<vmem_shared>>, %arg11: memref<!tpu.dma_semaphore, #tpu.memory_space<semaphore_mem>>, %arg12: memref<!tpu.dma_semaphore, #tpu.memory_space<semaphore_mem>>) attributes {dimension_semantics = [#tpu.dimension_semantics<core_parallel>, #tpu.dimension_semantics<subcore_parallel>], iteration_bounds = array<i64: 2, 16>, scalar_prefetch = 0 : i64, scratch_operands = 7 : i64, tpu.core_type = #tpu.core_type<sc_vector_subcore>, window_params = [{transform_indices = #map}, {transform_indices = #map1}, {transform_indices = #map1}, {transform_indices = #map}]} {
    %mul3A = arith.constant 16 : i32
    %mul3A_0 = arith.muli %arg0, %mul3A : i32
    %add3A = arith.addi %mul3A_0, %arg1 : i32
    %mul3A_1 = arith.constant 632 : i32
    %mul3A_2 = arith.muli %arg1, %mul3A_1 : i32
    "tpu.region"() ({
      %run_scoped3A = tpu.sem_alloc : memref<!tpu.dma_semaphore, #tpu.memory_space<semaphore_mem>>
      %dma_start3A = arith.constant 0 : i32
      %dma_start3A_14 = tpu.memref_slice %arg10[%mul3A_2, %dma_start3A] : memref<10112x128xf32, #tpu.memory_space<vmem_shared>> -> memref<632x128xf32, #tpu.memory_space<vmem_shared>>
      tpu.enqueue_dma source(%arg4 : memref<632x128xf32, #tpu.memory_space<hbm>>) target(%dma_start3A_14 : memref<632x128xf32, #tpu.memory_space<vmem_shared>>) target_semaphore(%run_scoped3A : memref<!tpu.dma_semaphore, #tpu.memory_space<semaphore_mem>>)
      %dma_wait3A = arith.constant 0 : i32
      %dma_wait3A_15 = tpu.memref_slice %arg10[%mul3A_2, %dma_wait3A] : memref<10112x128xf32, #tpu.memory_space<vmem_shared>> -> memref<632x128xf32, #tpu.memory_space<vmem_shared>>
      tpu.wait_dma2 semaphore(%run_scoped3A : memref<!tpu.dma_semaphore, #tpu.memory_space<semaphore_mem>>) src(%arg4 : memref<632x128xf32, #tpu.memory_space<hbm>>) dst(%dma_wait3A_15 : memref<632x128xf32, #tpu.memory_space<vmem_shared>>)
      tpu.yield
    }) : () -> ()
    %barrier3A = arith.constant 0 : index
    tpu.barrier barrier_id(%barrier3A)
    %lt3A = arith.constant 31 : i32
    %lt3A_3 = arith.cmpi slt, %add3A, %lt3A : i32
    %convert_element_type3A = arith.extui %lt3A_3 : i1 to i32
    %cond3A = arith.constant 0 : i32
    %cond3A_4 = arith.cmpi ne, %convert_element_type3A, %cond3A : i32
    scf.if %cond3A_4 {
      %mul3A_14 = arith.constant 80 : i32
      %mul3A_15 = arith.muli %add3A, %mul3A_14 : i32
      %run_scoped3A = arith.constant 0 : i32
      "tpu.region"() ({
        %run_scoped3A_61 = tpu.sem_alloc : memref<!tpu.dma_semaphore, #tpu.memory_space<semaphore_mem>>
        %dma_start3A_62 = arith.constant 0 : i32
        %dma_start3A_63 = arith.constant 0 : i32
        %dma_start3A_64 = tpu.memref_slice %arg6[%dma_start3A_62, %dma_start3A_63] : memref<40x128xi32, #tpu.memory_space<vmem>> -> memref<40x128xi32, #tpu.memory_space<vmem>>
        %dma_start3A_65 = arith.constant 0 : i32
        %dma_start3A_66 = tpu.memref_slice %arg2[%run_scoped3A, %mul3A_15, %dma_start3A_65] : memref<2x2500x128xi32, #tpu.memory_space<hbm>> -> memref<1x40x128xi32, #tpu.memory_space<hbm>>
        %dma_start3A_67 = tpu.memref_squeeze %dma_start3A_66 : memref<1x40x128xi32, #tpu.memory_space<hbm>> -> memref<40x128xi32, #tpu.memory_space<hbm>>
        %dma_start3A_68 = arith.constant 0 : i32
        %dma_start3A_69 = arith.constant 0 : i32
        %dma_start3A_70 = tpu.memref_slice %arg6[%dma_start3A_68, %dma_start3A_69] : memref<40x128xi32, #tpu.memory_space<vmem>> -> memref<40x128xi32, #tpu.memory_space<vmem>>
        %dma_start3A_71 = arith.constant 0 : i32
        %dma_start3A_72 = tpu.memref_slice %arg2[%run_scoped3A, %mul3A_15, %dma_start3A_71] : memref<2x2500x128xi32, #tpu.memory_space<hbm>> -> memref<1x40x128xi32, #tpu.memory_space<hbm>>
        %dma_start3A_73 = tpu.memref_squeeze %dma_start3A_72 : memref<1x40x128xi32, #tpu.memory_space<hbm>> -> memref<40x128xi32, #tpu.memory_space<hbm>>
        tpu.enqueue_dma source(%dma_start3A_73 : memref<40x128xi32, #tpu.memory_space<hbm>>) target(%dma_start3A_70 : memref<40x128xi32, #tpu.memory_space<vmem>>) target_semaphore(%run_scoped3A_61 : memref<!tpu.dma_semaphore, #tpu.memory_space<semaphore_mem>>)
        %dma_wait3A = arith.constant 0 : i32
        %dma_wait3A_74 = arith.constant 0 : i32
        %dma_wait3A_75 = tpu.memref_slice %arg6[%dma_wait3A, %dma_wait3A_74] : memref<40x128xi32, #tpu.memory_space<vmem>> -> memref<40x128xi32, #tpu.memory_space<vmem>>
        %dma_wait3A_76 = arith.constant 0 : i32
        %dma_wait3A_77 = tpu.memref_slice %arg2[%run_scoped3A, %mul3A_15, %dma_wait3A_76] : memref<2x2500x128xi32, #tpu.memory_space<hbm>> -> memref<1x40x128xi32, #tpu.memory_space<hbm>>
        %dma_wait3A_78 = tpu.memref_squeeze %dma_wait3A_77 : memref<1x40x128xi32, #tpu.memory_space<hbm>> -> memref<40x128xi32, #tpu.memory_space<hbm>>
        %dma_wait3A_79 = arith.constant 0 : i32
        %dma_wait3A_80 = arith.constant 0 : i32
        %dma_wait3A_81 = tpu.memref_slice %arg6[%dma_wait3A_79, %dma_wait3A_80] : memref<40x128xi32, #tpu.memory_space<vmem>> -> memref<40x128xi32, #tpu.memory_space<vmem>>
        %dma_wait3A_82 = arith.constant 0 : i32
        %dma_wait3A_83 = tpu.memref_slice %arg2[%run_scoped3A, %mul3A_15, %dma_wait3A_82] : memref<2x2500x128xi32, #tpu.memory_space<hbm>> -> memref<1x40x128xi32, #tpu.memory_space<hbm>>
        %dma_wait3A_84 = tpu.memref_squeeze %dma_wait3A_83 : memref<1x40x128xi32, #tpu.memory_space<hbm>> -> memref<40x128xi32, #tpu.memory_space<hbm>>
        tpu.wait_dma2 semaphore(%run_scoped3A_61 : memref<!tpu.dma_semaphore, #tpu.memory_space<semaphore_mem>>) src(%dma_wait3A_84 : memref<40x128xi32, #tpu.memory_space<hbm>>) dst(%dma_wait3A_81 : memref<40x128xi32, #tpu.memory_space<vmem>>)
        tpu.yield
      }) : () -> ()
      %run_scoped3A_16 = arith.constant 1 : i32
      "tpu.region"() ({
        %run_scoped3A_61 = tpu.sem_alloc : memref<!tpu.dma_semaphore, #tpu.memory_space<semaphore_mem>>
        %dma_start3A_62 = arith.constant 0 : i32
        %dma_start3A_63 = arith.constant 0 : i32
        %dma_start3A_64 = tpu.memref_slice %arg7[%dma_start3A_62, %dma_start3A_63] : memref<40x128xi32, #tpu.memory_space<vmem>> -> memref<40x128xi32, #tpu.memory_space<vmem>>
        %dma_start3A_65 = arith.constant 0 : i32
        %dma_start3A_66 = tpu.memref_slice %arg2[%run_scoped3A_16, %mul3A_15, %dma_start3A_65] : memref<2x2500x128xi32, #tpu.memory_space<hbm>> -> memref<1x40x128xi32, #tpu.memory_space<hbm>>
        %dma_start3A_67 = tpu.memref_squeeze %dma_start3A_66 : memref<1x40x128xi32, #tpu.memory_space<hbm>> -> memref<40x128xi32, #tpu.memory_space<hbm>>
        %dma_start3A_68 = arith.constant 0 : i32
        %dma_start3A_69 = arith.constant 0 : i32
        %dma_start3A_70 = tpu.memref_slice %arg7[%dma_start3A_68, %dma_start3A_69] : memref<40x128xi32, #tpu.memory_space<vmem>> -> memref<40x128xi32, #tpu.memory_space<vmem>>
        %dma_start3A_71 = arith.constant 0 : i32
        %dma_start3A_72 = tpu.memref_slice %arg2[%run_scoped3A_16, %mul3A_15, %dma_start3A_71] : memref<2x2500x128xi32, #tpu.memory_space<hbm>> -> memref<1x40x128xi32, #tpu.memory_space<hbm>>
        %dma_start3A_73 = tpu.memref_squeeze %dma_start3A_72 : memref<1x40x128xi32, #tpu.memory_space<hbm>> -> memref<40x128xi32, #tpu.memory_space<hbm>>
        tpu.enqueue_dma source(%dma_start3A_73 : memref<40x128xi32, #tpu.memory_space<hbm>>) target(%dma_start3A_70 : memref<40x128xi32, #tpu.memory_space<vmem>>) target_semaphore(%run_scoped3A_61 : memref<!tpu.dma_semaphore, #tpu.memory_space<semaphore_mem>>)
        %dma_wait3A = arith.constant 0 : i32
        %dma_wait3A_74 = arith.constant 0 : i32
        %dma_wait3A_75 = tpu.memref_slice %arg7[%dma_wait3A, %dma_wait3A_74] : memref<40x128xi32, #tpu.memory_space<vmem>> -> memref<40x128xi32, #tpu.memory_space<vmem>>
        %dma_wait3A_76 = arith.constant 0 : i32
        %dma_wait3A_77 = tpu.memref_slice %arg2[%run_scoped3A_16, %mul3A_15, %dma_wait3A_76] : memref<2x2500x128xi32, #tpu.memory_space<hbm>> -> memref<1x40x128xi32, #tpu.memory_space<hbm>>
        %dma_wait3A_78 = tpu.memref_squeeze %dma_wait3A_77 : memref<1x40x128xi32, #tpu.memory_space<hbm>> -> memref<40x128xi32, #tpu.memory_space<hbm>>
        %dma_wait3A_79 = arith.constant 0 : i32
        %dma_wait3A_80 = arith.constant 0 : i32
        %dma_wait3A_81 = tpu.memref_slice %arg7[%dma_wait3A_79, %dma_wait3A_80] : memref<40x128xi32, #tpu.memory_space<vmem>> -> memref<40x128xi32, #tpu.memory_space<vmem>>
        %dma_wait3A_82 = arith.constant 0 : i32
        %dma_wait3A_83 = tpu.memref_slice %arg2[%run_scoped3A_16, %mul3A_15, %dma_wait3A_82] : memref<2x2500x128xi32, #tpu.memory_space<hbm>> -> memref<1x40x128xi32, #tpu.memory_space<hbm>>
        %dma_wait3A_84 = tpu.memref_squeeze %dma_wait3A_83 : memref<1x40x128xi32, #tpu.memory_space<hbm>> -> memref<40x128xi32, #tpu.memory_space<hbm>>
        tpu.wait_dma2 semaphore(%run_scoped3A_61 : memref<!tpu.dma_semaphore, #tpu.memory_space<semaphore_mem>>) src(%dma_wait3A_84 : memref<40x128xi32, #tpu.memory_space<hbm>>) dst(%dma_wait3A_81 : memref<40x128xi32, #tpu.memory_space<vmem>>)
        tpu.yield
      }) : () -> ()
      %dma_start3A = arith.constant 0 : i32
      %dma_start3A_17 = arith.constant 0 : i32
      %dma_start3A_18 = tpu.memref_slice %arg6[%dma_start3A, %dma_start3A_17] : memref<40x128xi32, #tpu.memory_space<vmem>> -> memref<1x128xi32, #tpu.memory_space<vmem>>
      %dma_start3A_19 = tpu.memref_squeeze %dma_start3A_18 : memref<1x128xi32, #tpu.memory_space<vmem>> -> memref<128xi32, #tpu.memory_space<vmem>>
      %dma_start3A_20 = arith.constant 0 : i32
      %dma_start3A_21 = arith.constant 0 : i32
      %dma_start3A_22 = tpu.memref_slice %arg3[%dma_start3A_20, %dma_start3A_21] : memref<10112x128xf32, #tpu.memory_space<hbm>> -> memref<10112x128xf32, #tpu.memory_space<hbm>>
      tpu.enqueue_indirect_dma source(%dma_start3A_22 : memref<10112x128xf32, #tpu.memory_space<hbm>>) target(%arg8 : memref<128x128xf32, #tpu.memory_space<vmem>>) offsets(%dma_start3A_19 : memref<128xi32, #tpu.memory_space<vmem>>) semaphore(%arg11 : memref<!tpu.dma_semaphore, #tpu.memory_space<semaphore_mem>>)
      %dma_start3A_23 = arith.constant 1 : i32
      %dma_start3A_24 = arith.constant 0 : i32
      %dma_start3A_25 = tpu.memref_slice %arg6[%dma_start3A_23, %dma_start3A_24] : memref<40x128xi32, #tpu.memory_space<vmem>> -> memref<1x128xi32, #tpu.memory_space<vmem>>
      %dma_start3A_26 = tpu.memref_squeeze %dma_start3A_25 : memref<1x128xi32, #tpu.memory_space<vmem>> -> memref<128xi32, #tpu.memory_space<vmem>>
      %dma_start3A_27 = arith.constant 0 : i32
      %dma_start3A_28 = arith.constant 0 : i32
      %dma_start3A_29 = tpu.memref_slice %arg3[%dma_start3A_27, %dma_start3A_28] : memref<10112x128xf32, #tpu.memory_space<hbm>> -> memref<10112x128xf32, #tpu.memory_space<hbm>>
      tpu.enqueue_indirect_dma source(%dma_start3A_29 : memref<10112x128xf32, #tpu.memory_space<hbm>>) target(%arg9 : memref<128x128xf32, #tpu.memory_space<vmem>>) offsets(%dma_start3A_26 : memref<128xi32, #tpu.memory_space<vmem>>) semaphore(%arg12 : memref<!tpu.dma_semaphore, #tpu.memory_space<semaphore_mem>>)
      %scan3A = arith.constant 0 : i32
      %scan3A_30 = arith.constant 0 : i32
      %scan3A_31 = arith.constant 20 : i32
      %scan3A_32 = arith.addi %scan3A_30, %scan3A_31 : i32
      %scan3A_33 = arith.constant 1 : i32
      scf.for %scan3A_61 = %scan3A_30 to %scan3A_32 step %scan3A_33  : i32 {
        %mul3A_62 = arith.constant 2 : i32
        %mul3A_63 = arith.muli %mul3A_62, %scan3A_61 : i32
        %mul3A_64 = arith.constant 2 : i32
        %mul3A_65 = arith.muli %mul3A_64, %scan3A_61 : i32
        %add3A_66 = arith.constant 1 : i32
        %add3A_67 = arith.addi %mul3A_65, %add3A_66 : i32
        %dma_wait3A = arith.constant 0 : i32
        %dma_wait3A_68 = tpu.memref_slice %arg6[%mul3A_63, %dma_wait3A] : memref<40x128xi32, #tpu.memory_space<vmem>> -> memref<1x128xi32, #tpu.memory_space<vmem>>
        %dma_wait3A_69 = tpu.memref_squeeze %dma_wait3A_68 : memref<1x128xi32, #tpu.memory_space<vmem>> -> memref<128xi32, #tpu.memory_space<vmem>>
        %dma_wait3A_70 = arith.constant 0 : i32
        %dma_wait3A_71 = arith.constant 0 : i32
        %dma_wait3A_72 = tpu.memref_slice %arg3[%dma_wait3A_70, %dma_wait3A_71] : memref<10112x128xf32, #tpu.memory_space<hbm>> -> memref<10112x128xf32, #tpu.memory_space<hbm>>
        tpu.wait_indirect_dma semaphore(%arg11 : memref<!tpu.dma_semaphore, #tpu.memory_space<semaphore_mem>>) src(%dma_wait3A_72 : memref<10112x128xf32, #tpu.memory_space<hbm>>) dst(%arg8 : memref<128x128xf32, #tpu.memory_space<vmem>>)
        "tpu.region"() ({
          %run_scoped3A_93 = tpu.sem_alloc : memref<!tpu.dma_semaphore, #tpu.memory_space<semaphore_mem>>
          %dma_start3A_94 = arith.constant 0 : i32
          %dma_start3A_95 = tpu.memref_slice %arg7[%mul3A_63, %dma_start3A_94] : memref<40x128xi32, #tpu.memory_space<vmem>> -> memref<1x128xi32, #tpu.memory_space<vmem>>
          %dma_start3A_96 = tpu.memref_squeeze %dma_start3A_95 : memref<1x128xi32, #tpu.memory_space<vmem>> -> memref<128xi32, #tpu.memory_space<vmem>>
          %dma_start3A_97 = arith.constant 0 : i32
          %dma_start3A_98 = arith.constant 0 : i32
          %dma_start3A_99 = tpu.memref_slice %arg10[%dma_start3A_97, %dma_start3A_98] : memref<10112x128xf32, #tpu.memory_space<vmem_shared>> -> memref<10112x128xf32, #tpu.memory_space<vmem_shared>>
          tpu.enqueue_indirect_dma source(%arg8 : memref<128x128xf32, #tpu.memory_space<vmem>>) target(%dma_start3A_99 : memref<10112x128xf32, #tpu.memory_space<vmem_shared>>) offsets(%dma_start3A_96 : memref<128xi32, #tpu.memory_space<vmem>>) semaphore(%run_scoped3A_93 : memref<!tpu.dma_semaphore, #tpu.memory_space<semaphore_mem>>) {add = true}
          %dma_wait3A_100 = arith.constant 0 : i32
          %dma_wait3A_101 = tpu.memref_slice %arg7[%mul3A_63, %dma_wait3A_100] : memref<40x128xi32, #tpu.memory_space<vmem>> -> memref<1x128xi32, #tpu.memory_space<vmem>>
          %dma_wait3A_102 = tpu.memref_squeeze %dma_wait3A_101 : memref<1x128xi32, #tpu.memory_space<vmem>> -> memref<128xi32, #tpu.memory_space<vmem>>
          %dma_wait3A_103 = arith.constant 0 : i32
          %dma_wait3A_104 = arith.constant 0 : i32
          %dma_wait3A_105 = tpu.memref_slice %arg10[%dma_wait3A_103, %dma_wait3A_104] : memref<10112x128xf32, #tpu.memory_space<vmem_shared>> -> memref<10112x128xf32, #tpu.memory_space<vmem_shared>>
          tpu.wait_indirect_dma semaphore(%run_scoped3A_93 : memref<!tpu.dma_semaphore, #tpu.memory_space<semaphore_mem>>) src(%arg8 : memref<128x128xf32, #tpu.memory_space<vmem>>) dst(%dma_wait3A_105 : memref<10112x128xf32, #tpu.memory_space<vmem_shared>>)
          tpu.yield
        }) : () -> ()
        %add3A_73 = arith.constant 1 : i32
        %add3A_74 = arith.addi %scan3A_61, %add3A_73 : i32
        %lt3A_75 = arith.constant 20 : i32
        %lt3A_76 = arith.cmpi slt, %add3A_74, %lt3A_75 : i32
        %convert_element_type3A_77 = arith.extui %lt3A_76 : i1 to i32
        %cond3A_78 = arith.constant 0 : i32
        %cond3A_79 = arith.cmpi ne, %convert_element_type3A_77, %cond3A_78 : i32
        scf.if %cond3A_79 {
          %add3A_93 = arith.constant 2 : i32
          %add3A_94 = arith.addi %mul3A_63, %add3A_93 : i32
          %dma_start3A_95 = arith.constant 0 : i32
          %dma_start3A_96 = tpu.memref_slice %arg6[%add3A_94, %dma_start3A_95] : memref<40x128xi32, #tpu.memory_space<vmem>> -> memref<1x128xi32, #tpu.memory_space<vmem>>
          %dma_start3A_97 = tpu.memref_squeeze %dma_start3A_96 : memref<1x128xi32, #tpu.memory_space<vmem>> -> memref<128xi32, #tpu.memory_space<vmem>>
          %dma_start3A_98 = arith.constant 0 : i32
          %dma_start3A_99 = arith.constant 0 : i32
          %dma_start3A_100 = tpu.memref_slice %arg3[%dma_start3A_98, %dma_start3A_99] : memref<10112x128xf32, #tpu.memory_space<hbm>> -> memref<10112x128xf32, #tpu.memory_space<hbm>>
          tpu.enqueue_indirect_dma source(%dma_start3A_100 : memref<10112x128xf32, #tpu.memory_space<hbm>>) target(%arg8 : memref<128x128xf32, #tpu.memory_space<vmem>>) offsets(%dma_start3A_97 : memref<128xi32, #tpu.memory_space<vmem>>) semaphore(%arg11 : memref<!tpu.dma_semaphore, #tpu.memory_space<semaphore_mem>>)
        } else {
        }
        %dma_wait3A_80 = arith.constant 0 : i32
        %dma_wait3A_81 = tpu.memref_slice %arg6[%add3A_67, %dma_wait3A_80] : memref<40x128xi32, #tpu.memory_space<vmem>> -> memref<1x128xi32, #tpu.memory_space<vmem>>
        %dma_wait3A_82 = tpu.memref_squeeze %dma_wait3A_81 : memref<1x128xi32, #tpu.memory_space<vmem>> -> memref<128xi32, #tpu.memory_space<vmem>>
        %dma_wait3A_83 = arith.constant 0 : i32
        %dma_wait3A_84 = arith.constant 0 : i32
        %dma_wait3A_85 = tpu.memref_slice %arg3[%dma_wait3A_83, %dma_wait3A_84] : memref<10112x128xf32, #tpu.memory_space<hbm>> -> memref<10112x128xf32, #tpu.memory_space<hbm>>
        tpu.wait_indirect_dma semaphore(%arg12 : memref<!tpu.dma_semaphore, #tpu.memory_space<semaphore_mem>>) src(%dma_wait3A_85 : memref<10112x128xf32, #tpu.memory_space<hbm>>) dst(%arg9 : memref<128x128xf32, #tpu.memory_space<vmem>>)
        "tpu.region"() ({
          %run_scoped3A_93 = tpu.sem_alloc : memref<!tpu.dma_semaphore, #tpu.memory_space<semaphore_mem>>
          %dma_start3A_94 = arith.constant 0 : i32
          %dma_start3A_95 = tpu.memref_slice %arg7[%add3A_67, %dma_start3A_94] : memref<40x128xi32, #tpu.memory_space<vmem>> -> memref<1x128xi32, #tpu.memory_space<vmem>>
          %dma_start3A_96 = tpu.memref_squeeze %dma_start3A_95 : memref<1x128xi32, #tpu.memory_space<vmem>> -> memref<128xi32, #tpu.memory_space<vmem>>
          %dma_start3A_97 = arith.constant 0 : i32
          %dma_start3A_98 = arith.constant 0 : i32
          %dma_start3A_99 = tpu.memref_slice %arg10[%dma_start3A_97, %dma_start3A_98] : memref<10112x128xf32, #tpu.memory_space<vmem_shared>> -> memref<10112x128xf32, #tpu.memory_space<vmem_shared>>
          tpu.enqueue_indirect_dma source(%arg9 : memref<128x128xf32, #tpu.memory_space<vmem>>) target(%dma_start3A_99 : memref<10112x128xf32, #tpu.memory_space<vmem_shared>>) offsets(%dma_start3A_96 : memref<128xi32, #tpu.memory_space<vmem>>) semaphore(%run_scoped3A_93 : memref<!tpu.dma_semaphore, #tpu.memory_space<semaphore_mem>>) {add = true}
          %dma_wait3A_100 = arith.constant 0 : i32
          %dma_wait3A_101 = tpu.memref_slice %arg7[%add3A_67, %dma_wait3A_100] : memref<40x128xi32, #tpu.memory_space<vmem>> -> memref<1x128xi32, #tpu.memory_space<vmem>>
          %dma_wait3A_102 = tpu.memref_squeeze %dma_wait3A_101 : memref<1x128xi32, #tpu.memory_space<vmem>> -> memref<128xi32, #tpu.memory_space<vmem>>
          %dma_wait3A_103 = arith.constant 0 : i32
          %dma_wait3A_104 = arith.constant 0 : i32
          %dma_wait3A_105 = tpu.memref_slice %arg10[%dma_wait3A_103, %dma_wait3A_104] : memref<10112x128xf32, #tpu.memory_space<vmem_shared>> -> memref<10112x128xf32, #tpu.memory_space<vmem_shared>>
          tpu.wait_indirect_dma semaphore(%run_scoped3A_93 : memref<!tpu.dma_semaphore, #tpu.memory_space<semaphore_mem>>) src(%arg9 : memref<128x128xf32, #tpu.memory_space<vmem>>) dst(%dma_wait3A_105 : memref<10112x128xf32, #tpu.memory_space<vmem_shared>>)
          tpu.yield
        }) : () -> ()
        %add3A_86 = arith.constant 1 : i32
        %add3A_87 = arith.addi %scan3A_61, %add3A_86 : i32
        %lt3A_88 = arith.constant 20 : i32
        %lt3A_89 = arith.cmpi slt, %add3A_87, %lt3A_88 : i32
        %convert_element_type3A_90 = arith.extui %lt3A_89 : i1 to i32
        %cond3A_91 = arith.constant 0 : i32
        %cond3A_92 = arith.cmpi ne, %convert_element_type3A_90, %cond3A_91 : i32
        scf.if %cond3A_92 {
          %add3A_93 = arith.constant 2 : i32
          %add3A_94 = arith.addi %add3A_67, %add3A_93 : i32
          %dma_start3A_95 = arith.constant 0 : i32
          %dma_start3A_96 = tpu.memref_slice %arg6[%add3A_94, %dma_start3A_95] : memref<40x128xi32, #tpu.memory_space<vmem>> -> memref<1x128xi32, #tpu.memory_space<vmem>>
          %dma_start3A_97 = tpu.memref_squeeze %dma_start3A_96 : memref<1x128xi32, #tpu.memory_space<vmem>> -> memref<128xi32, #tpu.memory_space<vmem>>
          %dma_start3A_98 = arith.constant 0 : i32
          %dma_start3A_99 = arith.constant 0 : i32
          %dma_start3A_100 = tpu.memref_slice %arg3[%dma_start3A_98, %dma_start3A_99] : memref<10112x128xf32, #tpu.memory_space<hbm>> -> memref<10112x128xf32, #tpu.memory_space<hbm>>
          tpu.enqueue_indirect_dma source(%dma_start3A_100 : memref<10112x128xf32, #tpu.memory_space<hbm>>) target(%arg9 : memref<128x128xf32, #tpu.memory_space<vmem>>) offsets(%dma_start3A_97 : memref<128xi32, #tpu.memory_space<vmem>>) semaphore(%arg12 : memref<!tpu.dma_semaphore, #tpu.memory_space<semaphore_mem>>)
        } else {
        }
      }
      %scan3A_34 = arith.constant 20 : i32
      %mul3A_35 = arith.constant 80 : i32
      %mul3A_36 = arith.muli %add3A, %mul3A_35 : i32
      %add3A_37 = arith.constant 40 : i32
      %add3A_38 = arith.addi %mul3A_36, %add3A_37 : i32
      %run_scoped3A_39 = arith.constant 0 : i32
      "tpu.region"() ({
        %run_scoped3A_61 = tpu.sem_alloc : memref<!tpu.dma_semaphore, #tpu.memory_space<semaphore_mem>>
        %dma_start3A_62 = arith.constant 0 : i32
        %dma_start3A_63 = arith.constant 0 : i32
        %dma_start3A_64 = tpu.memref_slice %arg6[%dma_start3A_62, %dma_start3A_63] : memref<40x128xi32, #tpu.memory_space<vmem>> -> memref<40x128xi32, #tpu.memory_space<vmem>>
        %dma_start3A_65 = arith.constant 0 : i32
        %dma_start3A_66 = tpu.memref_slice %arg2[%run_scoped3A_39, %add3A_38, %dma_start3A_65] : memref<2x2500x128xi32, #tpu.memory_space<hbm>> -> memref<1x40x128xi32, #tpu.memory_space<hbm>>
        %dma_start3A_67 = tpu.memref_squeeze %dma_start3A_66 : memref<1x40x128xi32, #tpu.memory_space<hbm>> -> memref<40x128xi32, #tpu.memory_space<hbm>>
        %dma_start3A_68 = arith.constant 0 : i32
        %dma_start3A_69 = arith.constant 0 : i32
        %dma_start3A_70 = tpu.memref_slice %arg6[%dma_start3A_68, %dma_start3A_69] : memref<40x128xi32, #tpu.memory_space<vmem>> -> memref<40x128xi32, #tpu.memory_space<vmem>>
        %dma_start3A_71 = arith.constant 0 : i32
        %dma_start3A_72 = tpu.memref_slice %arg2[%run_scoped3A_39, %add3A_38, %dma_start3A_71] : memref<2x2500x128xi32, #tpu.memory_space<hbm>> -> memref<1x40x128xi32, #tpu.memory_space<hbm>>
        %dma_start3A_73 = tpu.memref_squeeze %dma_start3A_72 : memref<1x40x128xi32, #tpu.memory_space<hbm>> -> memref<40x128xi32, #tpu.memory_space<hbm>>
        tpu.enqueue_dma source(%dma_start3A_73 : memref<40x128xi32, #tpu.memory_space<hbm>>) target(%dma_start3A_70 : memref<40x128xi32, #tpu.memory_space<vmem>>) target_semaphore(%run_scoped3A_61 : memref<!tpu.dma_semaphore, #tpu.memory_space<semaphore_mem>>)
        %dma_wait3A = arith.constant 0 : i32
        %dma_wait3A_74 = arith.constant 0 : i32
        %dma_wait3A_75 = tpu.memref_slice %arg6[%dma_wait3A, %dma_wait3A_74] : memref<40x128xi32, #tpu.memory_space<vmem>> -> memref<40x128xi32, #tpu.memory_space<vmem>>
        %dma_wait3A_76 = arith.constant 0 : i32
        %dma_wait3A_77 = tpu.memref_slice %arg2[%run_scoped3A_39, %add3A_38, %dma_wait3A_76] : memref<2x2500x128xi32, #tpu.memory_space<hbm>> -> memref<1x40x128xi32, #tpu.memory_space<hbm>>
        %dma_wait3A_78 = tpu.memref_squeeze %dma_wait3A_77 : memref<1x40x128xi32, #tpu.memory_space<hbm>> -> memref<40x128xi32, #tpu.memory_space<hbm>>
        %dma_wait3A_79 = arith.constant 0 : i32
        %dma_wait3A_80 = arith.constant 0 : i32
        %dma_wait3A_81 = tpu.memref_slice %arg6[%dma_wait3A_79, %dma_wait3A_80] : memref<40x128xi32, #tpu.memory_space<vmem>> -> memref<40x128xi32, #tpu.memory_space<vmem>>
        %dma_wait3A_82 = arith.constant 0 : i32
        %dma_wait3A_83 = tpu.memref_slice %arg2[%run_scoped3A_39, %add3A_38, %dma_wait3A_82] : memref<2x2500x128xi32, #tpu.memory_space<hbm>> -> memref<1x40x128xi32, #tpu.memory_space<hbm>>
        %dma_wait3A_84 = tpu.memref_squeeze %dma_wait3A_83 : memref<1x40x128xi32, #tpu.memory_space<hbm>> -> memref<40x128xi32, #tpu.memory_space<hbm>>
        tpu.wait_dma2 semaphore(%run_scoped3A_61 : memref<!tpu.dma_semaphore, #tpu.memory_space<semaphore_mem>>) src(%dma_wait3A_84 : memref<40x128xi32, #tpu.memory_space<hbm>>) dst(%dma_wait3A_81 : memref<40x128xi32, #tpu.memory_space<vmem>>)
        tpu.yield
      }) : () -> ()
      %run_scoped3A_40 = arith.constant 1 : i32
      "tpu.region"() ({
        %run_scoped3A_61 = tpu.sem_alloc : memref<!tpu.dma_semaphore, #tpu.memory_space<semaphore_mem>>
        %dma_start3A_62 = arith.constant 0 : i32
        %dma_start3A_63 = arith.constant 0 : i32
        %dma_start3A_64 = tpu.memref_slice %arg7[%dma_start3A_62, %dma_start3A_63] : memref<40x128xi32, #tpu.memory_space<vmem>> -> memref<40x128xi32, #tpu.memory_space<vmem>>
        %dma_start3A_65 = arith.constant 0 : i32
        %dma_start3A_66 = tpu.memref_slice %arg2[%run_scoped3A_40, %add3A_38, %dma_start3A_65] : memref<2x2500x128xi32, #tpu.memory_space<hbm>> -> memref<1x40x128xi32, #tpu.memory_space<hbm>>
        %dma_start3A_67 = tpu.memref_squeeze %dma_start3A_66 : memref<1x40x128xi32, #tpu.memory_space<hbm>> -> memref<40x128xi32, #tpu.memory_space<hbm>>
        %dma_start3A_68 = arith.constant 0 : i32
        %dma_start3A_69 = arith.constant 0 : i32
        %dma_start3A_70 = tpu.memref_slice %arg7[%dma_start3A_68, %dma_start3A_69] : memref<40x128xi32, #tpu.memory_space<vmem>> -> memref<40x128xi32, #tpu.memory_space<vmem>>
        %dma_start3A_71 = arith.constant 0 : i32
        %dma_start3A_72 = tpu.memref_slice %arg2[%run_scoped3A_40, %add3A_38, %dma_start3A_71] : memref<2x2500x128xi32, #tpu.memory_space<hbm>> -> memref<1x40x128xi32, #tpu.memory_space<hbm>>
        %dma_start3A_73 = tpu.memref_squeeze %dma_start3A_72 : memref<1x40x128xi32, #tpu.memory_space<hbm>> -> memref<40x128xi32, #tpu.memory_space<hbm>>
        tpu.enqueue_dma source(%dma_start3A_73 : memref<40x128xi32, #tpu.memory_space<hbm>>) target(%dma_start3A_70 : memref<40x128xi32, #tpu.memory_space<vmem>>) target_semaphore(%run_scoped3A_61 : memref<!tpu.dma_semaphore, #tpu.memory_space<semaphore_mem>>)
        %dma_wait3A = arith.constant 0 : i32
        %dma_wait3A_74 = arith.constant 0 : i32
        %dma_wait3A_75 = tpu.memref_slice %arg7[%dma_wait3A, %dma_wait3A_74] : memref<40x128xi32, #tpu.memory_space<vmem>> -> memref<40x128xi32, #tpu.memory_space<vmem>>
        %dma_wait3A_76 = arith.constant 0 : i32
        %dma_wait3A_77 = tpu.memref_slice %arg2[%run_scoped3A_40, %add3A_38, %dma_wait3A_76] : memref<2x2500x128xi32, #tpu.memory_space<hbm>> -> memref<1x40x128xi32, #tpu.memory_space<hbm>>
        %dma_wait3A_78 = tpu.memref_squeeze %dma_wait3A_77 : memref<1x40x128xi32, #tpu.memory_space<hbm>> -> memref<40x128xi32, #tpu.memory_space<hbm>>
        %dma_wait3A_79 = arith.constant 0 : i32
        %dma_wait3A_80 = arith.constant 0 : i32
        %dma_wait3A_81 = tpu.memref_slice %arg7[%dma_wait3A_79, %dma_wait3A_80] : memref<40x128xi32, #tpu.memory_space<vmem>> -> memref<40x128xi32, #tpu.memory_space<vmem>>
        %dma_wait3A_82 = arith.constant 0 : i32
        %dma_wait3A_83 = tpu.memref_slice %arg2[%run_scoped3A_40, %add3A_38, %dma_wait3A_82] : memref<2x2500x128xi32, #tpu.memory_space<hbm>> -> memref<1x40x128xi32, #tpu.memory_space<hbm>>
        %dma_wait3A_84 = tpu.memref_squeeze %dma_wait3A_83 : memref<1x40x128xi32, #tpu.memory_space<hbm>> -> memref<40x128xi32, #tpu.memory_space<hbm>>
        tpu.wait_dma2 semaphore(%run_scoped3A_61 : memref<!tpu.dma_semaphore, #tpu.memory_space<semaphore_mem>>) src(%dma_wait3A_84 : memref<40x128xi32, #tpu.memory_space<hbm>>) dst(%dma_wait3A_81 : memref<40x128xi32, #tpu.memory_space<vmem>>)
        tpu.yield
      }) : () -> ()
      %dma_start3A_41 = arith.constant 0 : i32
      %dma_start3A_42 = arith.constant 0 : i32
      %dma_start3A_43 = tpu.memref_slice %arg6[%dma_start3A_41, %dma_start3A_42] : memref<40x128xi32, #tpu.memory_space<vmem>> -> memref<1x128xi32, #tpu.memory_space<vmem>>
      %dma_start3A_44 = tpu.memref_squeeze %dma_start3A_43 : memref<1x128xi32, #tpu.memory_space<vmem>> -> memref<128xi32, #tpu.memory_space<vmem>>
      %dma_start3A_45 = arith.constant 0 : i32
      %dma_start3A_46 = arith.constant 0 : i32
      %dma_start3A_47 = tpu.memref_slice %arg3[%dma_start3A_45, %dma_start3A_46] : memref<10112x128xf32, #tpu.memory_space<hbm>> -> memref<10112x128xf32, #tpu.memory_space<hbm>>
      tpu.enqueue_indirect_dma source(%dma_start3A_47 : memref<10112x128xf32, #tpu.memory_space<hbm>>) target(%arg8 : memref<128x128xf32, #tpu.memory_space<vmem>>) offsets(%dma_start3A_44 : memref<128xi32, #tpu.memory_space<vmem>>) semaphore(%arg11 : memref<!tpu.dma_semaphore, #tpu.memory_space<semaphore_mem>>)
      %dma_start3A_48 = arith.constant 1 : i32
      %dma_start3A_49 = arith.constant 0 : i32
      %dma_start3A_50 = tpu.memref_slice %arg6[%dma_start3A_48, %dma_start3A_49] : memref<40x128xi32, #tpu.memory_space<vmem>> -> memref<1x128xi32, #tpu.memory_space<vmem>>
      %dma_start3A_51 = tpu.memref_squeeze %dma_start3A_50 : memref<1x128xi32, #tpu.memory_space<vmem>> -> memref<128xi32, #tpu.memory_space<vmem>>
      %dma_start3A_52 = arith.constant 0 : i32
      %dma_start3A_53 = arith.constant 0 : i32
      %dma_start3A_54 = tpu.memref_slice %arg3[%dma_start3A_52, %dma_start3A_53] : memref<10112x128xf32, #tpu.memory_space<hbm>> -> memref<10112x128xf32, #tpu.memory_space<hbm>>
      tpu.enqueue_indirect_dma source(%dma_start3A_54 : memref<10112x128xf32, #tpu.memory_space<hbm>>) target(%arg9 : memref<128x128xf32, #tpu.memory_space<vmem>>) offsets(%dma_start3A_51 : memref<128xi32, #tpu.memory_space<vmem>>) semaphore(%arg12 : memref<!tpu.dma_semaphore, #tpu.memory_space<semaphore_mem>>)
      %scan3A_55 = arith.constant 0 : i32
      %scan3A_56 = arith.constant 0 : i32
      %scan3A_57 = arith.constant 20 : i32
      %scan3A_58 = arith.addi %scan3A_56, %scan3A_57 : i32
      %scan3A_59 = arith.constant 1 : i32
      scf.for %scan3A_61 = %scan3A_56 to %scan3A_58 step %scan3A_59  : i32 {
        %mul3A_62 = arith.constant 2 : i32
        %mul3A_63 = arith.muli %mul3A_62, %scan3A_61 : i32
        %mul3A_64 = arith.constant 2 : i32
        %mul3A_65 = arith.muli %mul3A_64, %scan3A_61 : i32
        %add3A_66 = arith.constant 1 : i32
        %add3A_67 = arith.addi %mul3A_65, %add3A_66 : i32
        %dma_wait3A = arith.constant 0 : i32
        %dma_wait3A_68 = tpu.memref_slice %arg6[%mul3A_63, %dma_wait3A] : memref<40x128xi32, #tpu.memory_space<vmem>> -> memref<1x128xi32, #tpu.memory_space<vmem>>
        %dma_wait3A_69 = tpu.memref_squeeze %dma_wait3A_68 : memref<1x128xi32, #tpu.memory_space<vmem>> -> memref<128xi32, #tpu.memory_space<vmem>>
        %dma_wait3A_70 = arith.constant 0 : i32
        %dma_wait3A_71 = arith.constant 0 : i32
        %dma_wait3A_72 = tpu.memref_slice %arg3[%dma_wait3A_70, %dma_wait3A_71] : memref<10112x128xf32, #tpu.memory_space<hbm>> -> memref<10112x128xf32, #tpu.memory_space<hbm>>
        tpu.wait_indirect_dma semaphore(%arg11 : memref<!tpu.dma_semaphore, #tpu.memory_space<semaphore_mem>>) src(%dma_wait3A_72 : memref<10112x128xf32, #tpu.memory_space<hbm>>) dst(%arg8 : memref<128x128xf32, #tpu.memory_space<vmem>>)
        "tpu.region"() ({
          %run_scoped3A_93 = tpu.sem_alloc : memref<!tpu.dma_semaphore, #tpu.memory_space<semaphore_mem>>
          %dma_start3A_94 = arith.constant 0 : i32
          %dma_start3A_95 = tpu.memref_slice %arg7[%mul3A_63, %dma_start3A_94] : memref<40x128xi32, #tpu.memory_space<vmem>> -> memref<1x128xi32, #tpu.memory_space<vmem>>
          %dma_start3A_96 = tpu.memref_squeeze %dma_start3A_95 : memref<1x128xi32, #tpu.memory_space<vmem>> -> memref<128xi32, #tpu.memory_space<vmem>>
          %dma_start3A_97 = arith.constant 0 : i32
          %dma_start3A_98 = arith.constant 0 : i32
          %dma_start3A_99 = tpu.memref_slice %arg10[%dma_start3A_97, %dma_start3A_98] : memref<10112x128xf32, #tpu.memory_space<vmem_shared>> -> memref<10112x128xf32, #tpu.memory_space<vmem_shared>>
          tpu.enqueue_indirect_dma source(%arg8 : memref<128x128xf32, #tpu.memory_space<vmem>>) target(%dma_start3A_99 : memref<10112x128xf32, #tpu.memory_space<vmem_shared>>) offsets(%dma_start3A_96 : memref<128xi32, #tpu.memory_space<vmem>>) semaphore(%run_scoped3A_93 : memref<!tpu.dma_semaphore, #tpu.memory_space<semaphore_mem>>) {add = true}
          %dma_wait3A_100 = arith.constant 0 : i32
          %dma_wait3A_101 = tpu.memref_slice %arg7[%mul3A_63, %dma_wait3A_100] : memref<40x128xi32, #tpu.memory_space<vmem>> -> memref<1x128xi32, #tpu.memory_space<vmem>>
          %dma_wait3A_102 = tpu.memref_squeeze %dma_wait3A_101 : memref<1x128xi32, #tpu.memory_space<vmem>> -> memref<128xi32, #tpu.memory_space<vmem>>
          %dma_wait3A_103 = arith.constant 0 : i32
          %dma_wait3A_104 = arith.constant 0 : i32
          %dma_wait3A_105 = tpu.memref_slice %arg10[%dma_wait3A_103, %dma_wait3A_104] : memref<10112x128xf32, #tpu.memory_space<vmem_shared>> -> memref<10112x128xf32, #tpu.memory_space<vmem_shared>>
          tpu.wait_indirect_dma semaphore(%run_scoped3A_93 : memref<!tpu.dma_semaphore, #tpu.memory_space<semaphore_mem>>) src(%arg8 : memref<128x128xf32, #tpu.memory_space<vmem>>) dst(%dma_wait3A_105 : memref<10112x128xf32, #tpu.memory_space<vmem_shared>>)
          tpu.yield
        }) : () -> ()
        %add3A_73 = arith.constant 1 : i32
        %add3A_74 = arith.addi %scan3A_61, %add3A_73 : i32
        %lt3A_75 = arith.constant 20 : i32
        %lt3A_76 = arith.cmpi slt, %add3A_74, %lt3A_75 : i32
        %convert_element_type3A_77 = arith.extui %lt3A_76 : i1 to i32
        %cond3A_78 = arith.constant 0 : i32
        %cond3A_79 = arith.cmpi ne, %convert_element_type3A_77, %cond3A_78 : i32
        scf.if %cond3A_79 {
          %add3A_93 = arith.constant 2 : i32
          %add3A_94 = arith.addi %mul3A_63, %add3A_93 : i32
          %dma_start3A_95 = arith.constant 0 : i32
          %dma_start3A_96 = tpu.memref_slice %arg6[%add3A_94, %dma_start3A_95] : memref<40x128xi32, #tpu.memory_space<vmem>> -> memref<1x128xi32, #tpu.memory_space<vmem>>
          %dma_start3A_97 = tpu.memref_squeeze %dma_start3A_96 : memref<1x128xi32, #tpu.memory_space<vmem>> -> memref<128xi32, #tpu.memory_space<vmem>>
          %dma_start3A_98 = arith.constant 0 : i32
          %dma_start3A_99 = arith.constant 0 : i32
          %dma_start3A_100 = tpu.memref_slice %arg3[%dma_start3A_98, %dma_start3A_99] : memref<10112x128xf32, #tpu.memory_space<hbm>> -> memref<10112x128xf32, #tpu.memory_space<hbm>>
          tpu.enqueue_indirect_dma source(%dma_start3A_100 : memref<10112x128xf32, #tpu.memory_space<hbm>>) target(%arg8 : memref<128x128xf32, #tpu.memory_space<vmem>>) offsets(%dma_start3A_97 : memref<128xi32, #tpu.memory_space<vmem>>) semaphore(%arg11 : memref<!tpu.dma_semaphore, #tpu.memory_space<semaphore_mem>>)
        } else {
        }
        %dma_wait3A_80 = arith.constant 0 : i32
        %dma_wait3A_81 = tpu.memref_slice %arg6[%add3A_67, %dma_wait3A_80] : memref<40x128xi32, #tpu.memory_space<vmem>> -> memref<1x128xi32, #tpu.memory_space<vmem>>
        %dma_wait3A_82 = tpu.memref_squeeze %dma_wait3A_81 : memref<1x128xi32, #tpu.memory_space<vmem>> -> memref<128xi32, #tpu.memory_space<vmem>>
        %dma_wait3A_83 = arith.constant 0 : i32
        %dma_wait3A_84 = arith.constant 0 : i32
        %dma_wait3A_85 = tpu.memref_slice %arg3[%dma_wait3A_83, %dma_wait3A_84] : memref<10112x128xf32, #tpu.memory_space<hbm>> -> memref<10112x128xf32, #tpu.memory_space<hbm>>
        tpu.wait_indirect_dma semaphore(%arg12 : memref<!tpu.dma_semaphore, #tpu.memory_space<semaphore_mem>>) src(%dma_wait3A_85 : memref<10112x128xf32, #tpu.memory_space<hbm>>) dst(%arg9 : memref<128x128xf32, #tpu.memory_space<vmem>>)
        "tpu.region"() ({
          %run_scoped3A_93 = tpu.sem_alloc : memref<!tpu.dma_semaphore, #tpu.memory_space<semaphore_mem>>
          %dma_start3A_94 = arith.constant 0 : i32
          %dma_start3A_95 = tpu.memref_slice %arg7[%add3A_67, %dma_start3A_94] : memref<40x128xi32, #tpu.memory_space<vmem>> -> memref<1x128xi32, #tpu.memory_space<vmem>>
          %dma_start3A_96 = tpu.memref_squeeze %dma_start3A_95 : memref<1x128xi32, #tpu.memory_space<vmem>> -> memref<128xi32, #tpu.memory_space<vmem>>
          %dma_start3A_97 = arith.constant 0 : i32
          %dma_start3A_98 = arith.constant 0 : i32
          %dma_start3A_99 = tpu.memref_slice %arg10[%dma_start3A_97, %dma_start3A_98] : memref<10112x128xf32, #tpu.memory_space<vmem_shared>> -> memref<10112x128xf32, #tpu.memory_space<vmem_shared>>
          tpu.enqueue_indirect_dma source(%arg9 : memref<128x128xf32, #tpu.memory_space<vmem>>) target(%dma_start3A_99 : memref<10112x128xf32, #tpu.memory_space<vmem_shared>>) offsets(%dma_start3A_96 : memref<128xi32, #tpu.memory_space<vmem>>) semaphore(%run_scoped3A_93 : memref<!tpu.dma_semaphore, #tpu.memory_space<semaphore_mem>>) {add = true}
          %dma_wait3A_100 = arith.constant 0 : i32
          %dma_wait3A_101 = tpu.memref_slice %arg7[%add3A_67, %dma_wait3A_100] : memref<40x128xi32, #tpu.memory_space<vmem>> -> memref<1x128xi32, #tpu.memory_space<vmem>>
          %dma_wait3A_102 = tpu.memref_squeeze %dma_wait3A_101 : memref<1x128xi32, #tpu.memory_space<vmem>> -> memref<128xi32, #tpu.memory_space<vmem>>
          %dma_wait3A_103 = arith.constant 0 : i32
          %dma_wait3A_104 = arith.constant 0 : i32
          %dma_wait3A_105 = tpu.memref_slice %arg10[%dma_wait3A_103, %dma_wait3A_104] : memref<10112x128xf32, #tpu.memory_space<vmem_shared>> -> memref<10112x128xf32, #tpu.memory_space<vmem_shared>>
          tpu.wait_indirect_dma semaphore(%run_scoped3A_93 : memref<!tpu.dma_semaphore, #tpu.memory_space<semaphore_mem>>) src(%arg9 : memref<128x128xf32, #tpu.memory_space<vmem>>) dst(%dma_wait3A_105 : memref<10112x128xf32, #tpu.memory_space<vmem_shared>>)
          tpu.yield
        }) : () -> ()
        %add3A_86 = arith.constant 1 : i32
        %add3A_87 = arith.addi %scan3A_61, %add3A_86 : i32
        %lt3A_88 = arith.constant 20 : i32
        %lt3A_89 = arith.cmpi slt, %add3A_87, %lt3A_88 : i32
        %convert_element_type3A_90 = arith.extui %lt3A_89 : i1 to i32
        %cond3A_91 = arith.constant 0 : i32
        %cond3A_92 = arith.cmpi ne, %convert_element_type3A_90, %cond3A_91 : i32
        scf.if %cond3A_92 {
          %add3A_93 = arith.constant 2 : i32
          %add3A_94 = arith.addi %add3A_67, %add3A_93 : i32
          %dma_start3A_95 = arith.constant 0 : i32
          %dma_start3A_96 = tpu.memref_slice %arg6[%add3A_94, %dma_start3A_95] : memref<40x128xi32, #tpu.memory_space<vmem>> -> memref<1x128xi32, #tpu.memory_space<vmem>>
          %dma_start3A_97 = tpu.memref_squeeze %dma_start3A_96 : memref<1x128xi32, #tpu.memory_space<vmem>> -> memref<128xi32, #tpu.memory_space<vmem>>
          %dma_start3A_98 = arith.constant 0 : i32
          %dma_start3A_99 = arith.constant 0 : i32
          %dma_start3A_100 = tpu.memref_slice %arg3[%dma_start3A_98, %dma_start3A_99] : memref<10112x128xf32, #tpu.memory_space<hbm>> -> memref<10112x128xf32, #tpu.memory_space<hbm>>
          tpu.enqueue_indirect_dma source(%dma_start3A_100 : memref<10112x128xf32, #tpu.memory_space<hbm>>) target(%arg9 : memref<128x128xf32, #tpu.memory_space<vmem>>) offsets(%dma_start3A_97 : memref<128xi32, #tpu.memory_space<vmem>>) semaphore(%arg12 : memref<!tpu.dma_semaphore, #tpu.memory_space<semaphore_mem>>)
        } else {
        }
      }
      %scan3A_60 = arith.constant 20 : i32
    } else {
    }
    %eq3A = arith.constant 31 : i32
    %eq3A_5 = arith.cmpi eq, %add3A, %eq3A : i32
    %convert_element_type3A_6 = arith.extui %eq3A_5 : i1 to i32
    %cond3A_7 = arith.constant 0 : i32
    %cond3A_8 = arith.cmpi ne, %convert_element_type3A_6, %cond3A_7 : i32
    scf.if %cond3A_8 {
      %run_scoped3A = arith.constant 0 : i32
      "tpu.region"() ({
        %run_scoped3A_33 = tpu.sem_alloc : memref<!tpu.dma_semaphore, #tpu.memory_space<semaphore_mem>>
        %dma_start3A_34 = arith.constant 0 : i32
        %dma_start3A_35 = arith.constant 0 : i32
        %dma_start3A_36 = tpu.memref_slice %arg6[%dma_start3A_34, %dma_start3A_35] : memref<40x128xi32, #tpu.memory_space<vmem>> -> memref<20x128xi32, #tpu.memory_space<vmem>>
        %dma_start3A_37 = arith.constant 2480 : i32
        %dma_start3A_38 = arith.constant 0 : i32
        %dma_start3A_39 = tpu.memref_slice %arg2[%run_scoped3A, %dma_start3A_37, %dma_start3A_38] : memref<2x2500x128xi32, #tpu.memory_space<hbm>> -> memref<1x20x128xi32, #tpu.memory_space<hbm>>
        %dma_start3A_40 = tpu.memref_squeeze %dma_start3A_39 : memref<1x20x128xi32, #tpu.memory_space<hbm>> -> memref<20x128xi32, #tpu.memory_space<hbm>>
        %dma_start3A_41 = arith.constant 0 : i32
        %dma_start3A_42 = arith.constant 0 : i32
        %dma_start3A_43 = tpu.memref_slice %arg6[%dma_start3A_41, %dma_start3A_42] : memref<40x128xi32, #tpu.memory_space<vmem>> -> memref<20x128xi32, #tpu.memory_space<vmem>>
        %dma_start3A_44 = arith.constant 2480 : i32
        %dma_start3A_45 = arith.constant 0 : i32
        %dma_start3A_46 = tpu.memref_slice %arg2[%run_scoped3A, %dma_start3A_44, %dma_start3A_45] : memref<2x2500x128xi32, #tpu.memory_space<hbm>> -> memref<1x20x128xi32, #tpu.memory_space<hbm>>
        %dma_start3A_47 = tpu.memref_squeeze %dma_start3A_46 : memref<1x20x128xi32, #tpu.memory_space<hbm>> -> memref<20x128xi32, #tpu.memory_space<hbm>>
        tpu.enqueue_dma source(%dma_start3A_47 : memref<20x128xi32, #tpu.memory_space<hbm>>) target(%dma_start3A_43 : memref<20x128xi32, #tpu.memory_space<vmem>>) target_semaphore(%run_scoped3A_33 : memref<!tpu.dma_semaphore, #tpu.memory_space<semaphore_mem>>)
        %dma_wait3A = arith.constant 0 : i32
        %dma_wait3A_48 = arith.constant 0 : i32
        %dma_wait3A_49 = tpu.memref_slice %arg6[%dma_wait3A, %dma_wait3A_48] : memref<40x128xi32, #tpu.memory_space<vmem>> -> memref<20x128xi32, #tpu.memory_space<vmem>>
        %dma_wait3A_50 = arith.constant 2480 : i32
        %dma_wait3A_51 = arith.constant 0 : i32
        %dma_wait3A_52 = tpu.memref_slice %arg2[%run_scoped3A, %dma_wait3A_50, %dma_wait3A_51] : memref<2x2500x128xi32, #tpu.memory_space<hbm>> -> memref<1x20x128xi32, #tpu.memory_space<hbm>>
        %dma_wait3A_53 = tpu.memref_squeeze %dma_wait3A_52 : memref<1x20x128xi32, #tpu.memory_space<hbm>> -> memref<20x128xi32, #tpu.memory_space<hbm>>
        %dma_wait3A_54 = arith.constant 0 : i32
        %dma_wait3A_55 = arith.constant 0 : i32
        %dma_wait3A_56 = tpu.memref_slice %arg6[%dma_wait3A_54, %dma_wait3A_55] : memref<40x128xi32, #tpu.memory_space<vmem>> -> memref<20x128xi32, #tpu.memory_space<vmem>>
        %dma_wait3A_57 = arith.constant 2480 : i32
        %dma_wait3A_58 = arith.constant 0 : i32
        %dma_wait3A_59 = tpu.memref_slice %arg2[%run_scoped3A, %dma_wait3A_57, %dma_wait3A_58] : memref<2x2500x128xi32, #tpu.memory_space<hbm>> -> memref<1x20x128xi32, #tpu.memory_space<hbm>>
        %dma_wait3A_60 = tpu.memref_squeeze %dma_wait3A_59 : memref<1x20x128xi32, #tpu.memory_space<hbm>> -> memref<20x128xi32, #tpu.memory_space<hbm>>
        tpu.wait_dma2 semaphore(%run_scoped3A_33 : memref<!tpu.dma_semaphore, #tpu.memory_space<semaphore_mem>>) src(%dma_wait3A_60 : memref<20x128xi32, #tpu.memory_space<hbm>>) dst(%dma_wait3A_56 : memref<20x128xi32, #tpu.memory_space<vmem>>)
        tpu.yield
      }) : () -> ()
      %run_scoped3A_14 = arith.constant 1 : i32
      "tpu.region"() ({
        %run_scoped3A_33 = tpu.sem_alloc : memref<!tpu.dma_semaphore, #tpu.memory_space<semaphore_mem>>
        %dma_start3A_34 = arith.constant 0 : i32
        %dma_start3A_35 = arith.constant 0 : i32
        %dma_start3A_36 = tpu.memref_slice %arg7[%dma_start3A_34, %dma_start3A_35] : memref<40x128xi32, #tpu.memory_space<vmem>> -> memref<20x128xi32, #tpu.memory_space<vmem>>
        %dma_start3A_37 = arith.constant 2480 : i32
        %dma_start3A_38 = arith.constant 0 : i32
        %dma_start3A_39 = tpu.memref_slice %arg2[%run_scoped3A_14, %dma_start3A_37, %dma_start3A_38] : memref<2x2500x128xi32, #tpu.memory_space<hbm>> -> memref<1x20x128xi32, #tpu.memory_space<hbm>>
        %dma_start3A_40 = tpu.memref_squeeze %dma_start3A_39 : memref<1x20x128xi32, #tpu.memory_space<hbm>> -> memref<20x128xi32, #tpu.memory_space<hbm>>
        %dma_start3A_41 = arith.constant 0 : i32
        %dma_start3A_42 = arith.constant 0 : i32
        %dma_start3A_43 = tpu.memref_slice %arg7[%dma_start3A_41, %dma_start3A_42] : memref<40x128xi32, #tpu.memory_space<vmem>> -> memref<20x128xi32, #tpu.memory_space<vmem>>
        %dma_start3A_44 = arith.constant 2480 : i32
        %dma_start3A_45 = arith.constant 0 : i32
        %dma_start3A_46 = tpu.memref_slice %arg2[%run_scoped3A_14, %dma_start3A_44, %dma_start3A_45] : memref<2x2500x128xi32, #tpu.memory_space<hbm>> -> memref<1x20x128xi32, #tpu.memory_space<hbm>>
        %dma_start3A_47 = tpu.memref_squeeze %dma_start3A_46 : memref<1x20x128xi32, #tpu.memory_space<hbm>> -> memref<20x128xi32, #tpu.memory_space<hbm>>
        tpu.enqueue_dma source(%dma_start3A_47 : memref<20x128xi32, #tpu.memory_space<hbm>>) target(%dma_start3A_43 : memref<20x128xi32, #tpu.memory_space<vmem>>) target_semaphore(%run_scoped3A_33 : memref<!tpu.dma_semaphore, #tpu.memory_space<semaphore_mem>>)
        %dma_wait3A = arith.constant 0 : i32
        %dma_wait3A_48 = arith.constant 0 : i32
        %dma_wait3A_49 = tpu.memref_slice %arg7[%dma_wait3A, %dma_wait3A_48] : memref<40x128xi32, #tpu.memory_space<vmem>> -> memref<20x128xi32, #tpu.memory_space<vmem>>
        %dma_wait3A_50 = arith.constant 2480 : i32
        %dma_wait3A_51 = arith.constant 0 : i32
        %dma_wait3A_52 = tpu.memref_slice %arg2[%run_scoped3A_14, %dma_wait3A_50, %dma_wait3A_51] : memref<2x2500x128xi32, #tpu.memory_space<hbm>> -> memref<1x20x128xi32, #tpu.memory_space<hbm>>
        %dma_wait3A_53 = tpu.memref_squeeze %dma_wait3A_52 : memref<1x20x128xi32, #tpu.memory_space<hbm>> -> memref<20x128xi32, #tpu.memory_space<hbm>>
        %dma_wait3A_54 = arith.constant 0 : i32
        %dma_wait3A_55 = arith.constant 0 : i32
        %dma_wait3A_56 = tpu.memref_slice %arg7[%dma_wait3A_54, %dma_wait3A_55] : memref<40x128xi32, #tpu.memory_space<vmem>> -> memref<20x128xi32, #tpu.memory_space<vmem>>
        %dma_wait3A_57 = arith.constant 2480 : i32
        %dma_wait3A_58 = arith.constant 0 : i32
        %dma_wait3A_59 = tpu.memref_slice %arg2[%run_scoped3A_14, %dma_wait3A_57, %dma_wait3A_58] : memref<2x2500x128xi32, #tpu.memory_space<hbm>> -> memref<1x20x128xi32, #tpu.memory_space<hbm>>
        %dma_wait3A_60 = tpu.memref_squeeze %dma_wait3A_59 : memref<1x20x128xi32, #tpu.memory_space<hbm>> -> memref<20x128xi32, #tpu.memory_space<hbm>>
        tpu.wait_dma2 semaphore(%run_scoped3A_33 : memref<!tpu.dma_semaphore, #tpu.memory_space<semaphore_mem>>) src(%dma_wait3A_60 : memref<20x128xi32, #tpu.memory_space<hbm>>) dst(%dma_wait3A_56 : memref<20x128xi32, #tpu.memory_space<vmem>>)
        tpu.yield
      }) : () -> ()
      %dma_start3A = arith.constant 0 : i32
      %dma_start3A_15 = arith.constant 0 : i32
      %dma_start3A_16 = tpu.memref_slice %arg6[%dma_start3A, %dma_start3A_15] : memref<40x128xi32, #tpu.memory_space<vmem>> -> memref<1x128xi32, #tpu.memory_space<vmem>>
      %dma_start3A_17 = tpu.memref_squeeze %dma_start3A_16 : memref<1x128xi32, #tpu.memory_space<vmem>> -> memref<128xi32, #tpu.memory_space<vmem>>
      %dma_start3A_18 = arith.constant 0 : i32
      %dma_start3A_19 = arith.constant 0 : i32
      %dma_start3A_20 = tpu.memref_slice %arg3[%dma_start3A_18, %dma_start3A_19] : memref<10112x128xf32, #tpu.memory_space<hbm>> -> memref<10112x128xf32, #tpu.memory_space<hbm>>
      tpu.enqueue_indirect_dma source(%dma_start3A_20 : memref<10112x128xf32, #tpu.memory_space<hbm>>) target(%arg8 : memref<128x128xf32, #tpu.memory_space<vmem>>) offsets(%dma_start3A_17 : memref<128xi32, #tpu.memory_space<vmem>>) semaphore(%arg11 : memref<!tpu.dma_semaphore, #tpu.memory_space<semaphore_mem>>)
      %dma_start3A_21 = arith.constant 1 : i32
      %dma_start3A_22 = arith.constant 0 : i32
      %dma_start3A_23 = tpu.memref_slice %arg6[%dma_start3A_21, %dma_start3A_22] : memref<40x128xi32, #tpu.memory_space<vmem>> -> memref<1x128xi32, #tpu.memory_space<vmem>>
      %dma_start3A_24 = tpu.memref_squeeze %dma_start3A_23 : memref<1x128xi32, #tpu.memory_space<vmem>> -> memref<128xi32, #tpu.memory_space<vmem>>
      %dma_start3A_25 = arith.constant 0 : i32
      %dma_start3A_26 = arith.constant 0 : i32
      %dma_start3A_27 = tpu.memref_slice %arg3[%dma_start3A_25, %dma_start3A_26] : memref<10112x128xf32, #tpu.memory_space<hbm>> -> memref<10112x128xf32, #tpu.memory_space<hbm>>
      tpu.enqueue_indirect_dma source(%dma_start3A_27 : memref<10112x128xf32, #tpu.memory_space<hbm>>) target(%arg9 : memref<128x128xf32, #tpu.memory_space<vmem>>) offsets(%dma_start3A_24 : memref<128xi32, #tpu.memory_space<vmem>>) semaphore(%arg12 : memref<!tpu.dma_semaphore, #tpu.memory_space<semaphore_mem>>)
      %scan3A = arith.constant 0 : i32
      %scan3A_28 = arith.constant 0 : i32
      %scan3A_29 = arith.constant 10 : i32
      %scan3A_30 = arith.addi %scan3A_28, %scan3A_29 : i32
      %scan3A_31 = arith.constant 1 : i32
      scf.for %scan3A_33 = %scan3A_28 to %scan3A_30 step %scan3A_31  : i32 {
        %mul3A_34 = arith.constant 2 : i32
        %mul3A_35 = arith.muli %mul3A_34, %scan3A_33 : i32
        %mul3A_36 = arith.constant 2 : i32
        %mul3A_37 = arith.muli %mul3A_36, %scan3A_33 : i32
        %add3A_38 = arith.constant 1 : i32
        %add3A_39 = arith.addi %mul3A_37, %add3A_38 : i32
        %dma_wait3A = arith.constant 0 : i32
        %dma_wait3A_40 = tpu.memref_slice %arg6[%mul3A_35, %dma_wait3A] : memref<40x128xi32, #tpu.memory_space<vmem>> -> memref<1x128xi32, #tpu.memory_space<vmem>>
        %dma_wait3A_41 = tpu.memref_squeeze %dma_wait3A_40 : memref<1x128xi32, #tpu.memory_space<vmem>> -> memref<128xi32, #tpu.memory_space<vmem>>
        %dma_wait3A_42 = arith.constant 0 : i32
        %dma_wait3A_43 = arith.constant 0 : i32
        %dma_wait3A_44 = tpu.memref_slice %arg3[%dma_wait3A_42, %dma_wait3A_43] : memref<10112x128xf32, #tpu.memory_space<hbm>> -> memref<10112x128xf32, #tpu.memory_space<hbm>>
        tpu.wait_indirect_dma semaphore(%arg11 : memref<!tpu.dma_semaphore, #tpu.memory_space<semaphore_mem>>) src(%dma_wait3A_44 : memref<10112x128xf32, #tpu.memory_space<hbm>>) dst(%arg8 : memref<128x128xf32, #tpu.memory_space<vmem>>)
        "tpu.region"() ({
          %run_scoped3A_65 = tpu.sem_alloc : memref<!tpu.dma_semaphore, #tpu.memory_space<semaphore_mem>>
          %dma_start3A_66 = arith.constant 0 : i32
          %dma_start3A_67 = tpu.memref_slice %arg7[%mul3A_35, %dma_start3A_66] : memref<40x128xi32, #tpu.memory_space<vmem>> -> memref<1x128xi32, #tpu.memory_space<vmem>>
          %dma_start3A_68 = tpu.memref_squeeze %dma_start3A_67 : memref<1x128xi32, #tpu.memory_space<vmem>> -> memref<128xi32, #tpu.memory_space<vmem>>
          %dma_start3A_69 = arith.constant 0 : i32
          %dma_start3A_70 = arith.constant 0 : i32
          %dma_start3A_71 = tpu.memref_slice %arg10[%dma_start3A_69, %dma_start3A_70] : memref<10112x128xf32, #tpu.memory_space<vmem_shared>> -> memref<10112x128xf32, #tpu.memory_space<vmem_shared>>
          tpu.enqueue_indirect_dma source(%arg8 : memref<128x128xf32, #tpu.memory_space<vmem>>) target(%dma_start3A_71 : memref<10112x128xf32, #tpu.memory_space<vmem_shared>>) offsets(%dma_start3A_68 : memref<128xi32, #tpu.memory_space<vmem>>) semaphore(%run_scoped3A_65 : memref<!tpu.dma_semaphore, #tpu.memory_space<semaphore_mem>>) {add = true}
          %dma_wait3A_72 = arith.constant 0 : i32
          %dma_wait3A_73 = tpu.memref_slice %arg7[%mul3A_35, %dma_wait3A_72] : memref<40x128xi32, #tpu.memory_space<vmem>> -> memref<1x128xi32, #tpu.memory_space<vmem>>
          %dma_wait3A_74 = tpu.memref_squeeze %dma_wait3A_73 : memref<1x128xi32, #tpu.memory_space<vmem>> -> memref<128xi32, #tpu.memory_space<vmem>>
          %dma_wait3A_75 = arith.constant 0 : i32
          %dma_wait3A_76 = arith.constant 0 : i32
          %dma_wait3A_77 = tpu.memref_slice %arg10[%dma_wait3A_75, %dma_wait3A_76] : memref<10112x128xf32, #tpu.memory_space<vmem_shared>> -> memref<10112x128xf32, #tpu.memory_space<vmem_shared>>
          tpu.wait_indirect_dma semaphore(%run_scoped3A_65 : memref<!tpu.dma_semaphore, #tpu.memory_space<semaphore_mem>>) src(%arg8 : memref<128x128xf32, #tpu.memory_space<vmem>>) dst(%dma_wait3A_77 : memref<10112x128xf32, #tpu.memory_space<vmem_shared>>)
          tpu.yield
        }) : () -> ()
        %add3A_45 = arith.constant 1 : i32
        %add3A_46 = arith.addi %scan3A_33, %add3A_45 : i32
        %lt3A_47 = arith.constant 10 : i32
        %lt3A_48 = arith.cmpi slt, %add3A_46, %lt3A_47 : i32
        %convert_element_type3A_49 = arith.extui %lt3A_48 : i1 to i32
        %cond3A_50 = arith.constant 0 : i32
        %cond3A_51 = arith.cmpi ne, %convert_element_type3A_49, %cond3A_50 : i32
        scf.if %cond3A_51 {
          %add3A_65 = arith.constant 2 : i32
          %add3A_66 = arith.addi %mul3A_35, %add3A_65 : i32
          %dma_start3A_67 = arith.constant 0 : i32
          %dma_start3A_68 = tpu.memref_slice %arg6[%add3A_66, %dma_start3A_67] : memref<40x128xi32, #tpu.memory_space<vmem>> -> memref<1x128xi32, #tpu.memory_space<vmem>>
          %dma_start3A_69 = tpu.memref_squeeze %dma_start3A_68 : memref<1x128xi32, #tpu.memory_space<vmem>> -> memref<128xi32, #tpu.memory_space<vmem>>
          %dma_start3A_70 = arith.constant 0 : i32
          %dma_start3A_71 = arith.constant 0 : i32
          %dma_start3A_72 = tpu.memref_slice %arg3[%dma_start3A_70, %dma_start3A_71] : memref<10112x128xf32, #tpu.memory_space<hbm>> -> memref<10112x128xf32, #tpu.memory_space<hbm>>
          tpu.enqueue_indirect_dma source(%dma_start3A_72 : memref<10112x128xf32, #tpu.memory_space<hbm>>) target(%arg8 : memref<128x128xf32, #tpu.memory_space<vmem>>) offsets(%dma_start3A_69 : memref<128xi32, #tpu.memory_space<vmem>>) semaphore(%arg11 : memref<!tpu.dma_semaphore, #tpu.memory_space<semaphore_mem>>)
        } else {
        }
        %dma_wait3A_52 = arith.constant 0 : i32
        %dma_wait3A_53 = tpu.memref_slice %arg6[%add3A_39, %dma_wait3A_52] : memref<40x128xi32, #tpu.memory_space<vmem>> -> memref<1x128xi32, #tpu.memory_space<vmem>>
        %dma_wait3A_54 = tpu.memref_squeeze %dma_wait3A_53 : memref<1x128xi32, #tpu.memory_space<vmem>> -> memref<128xi32, #tpu.memory_space<vmem>>
        %dma_wait3A_55 = arith.constant 0 : i32
        %dma_wait3A_56 = arith.constant 0 : i32
        %dma_wait3A_57 = tpu.memref_slice %arg3[%dma_wait3A_55, %dma_wait3A_56] : memref<10112x128xf32, #tpu.memory_space<hbm>> -> memref<10112x128xf32, #tpu.memory_space<hbm>>
        tpu.wait_indirect_dma semaphore(%arg12 : memref<!tpu.dma_semaphore, #tpu.memory_space<semaphore_mem>>) src(%dma_wait3A_57 : memref<10112x128xf32, #tpu.memory_space<hbm>>) dst(%arg9 : memref<128x128xf32, #tpu.memory_space<vmem>>)
        "tpu.region"() ({
          %run_scoped3A_65 = tpu.sem_alloc : memref<!tpu.dma_semaphore, #tpu.memory_space<semaphore_mem>>
          %dma_start3A_66 = arith.constant 0 : i32
          %dma_start3A_67 = tpu.memref_slice %arg7[%add3A_39, %dma_start3A_66] : memref<40x128xi32, #tpu.memory_space<vmem>> -> memref<1x128xi32, #tpu.memory_space<vmem>>
          %dma_start3A_68 = tpu.memref_squeeze %dma_start3A_67 : memref<1x128xi32, #tpu.memory_space<vmem>> -> memref<128xi32, #tpu.memory_space<vmem>>
          %dma_start3A_69 = arith.constant 0 : i32
          %dma_start3A_70 = arith.constant 0 : i32
          %dma_start3A_71 = tpu.memref_slice %arg10[%dma_start3A_69, %dma_start3A_70] : memref<10112x128xf32, #tpu.memory_space<vmem_shared>> -> memref<10112x128xf32, #tpu.memory_space<vmem_shared>>
          tpu.enqueue_indirect_dma source(%arg9 : memref<128x128xf32, #tpu.memory_space<vmem>>) target(%dma_start3A_71 : memref<10112x128xf32, #tpu.memory_space<vmem_shared>>) offsets(%dma_start3A_68 : memref<128xi32, #tpu.memory_space<vmem>>) semaphore(%run_scoped3A_65 : memref<!tpu.dma_semaphore, #tpu.memory_space<semaphore_mem>>) {add = true}
          %dma_wait3A_72 = arith.constant 0 : i32
          %dma_wait3A_73 = tpu.memref_slice %arg7[%add3A_39, %dma_wait3A_72] : memref<40x128xi32, #tpu.memory_space<vmem>> -> memref<1x128xi32, #tpu.memory_space<vmem>>
          %dma_wait3A_74 = tpu.memref_squeeze %dma_wait3A_73 : memref<1x128xi32, #tpu.memory_space<vmem>> -> memref<128xi32, #tpu.memory_space<vmem>>
          %dma_wait3A_75 = arith.constant 0 : i32
          %dma_wait3A_76 = arith.constant 0 : i32
          %dma_wait3A_77 = tpu.memref_slice %arg10[%dma_wait3A_75, %dma_wait3A_76] : memref<10112x128xf32, #tpu.memory_space<vmem_shared>> -> memref<10112x128xf32, #tpu.memory_space<vmem_shared>>
          tpu.wait_indirect_dma semaphore(%run_scoped3A_65 : memref<!tpu.dma_semaphore, #tpu.memory_space<semaphore_mem>>) src(%arg9 : memref<128x128xf32, #tpu.memory_space<vmem>>) dst(%dma_wait3A_77 : memref<10112x128xf32, #tpu.memory_space<vmem_shared>>)
          tpu.yield
        }) : () -> ()
        %add3A_58 = arith.constant 1 : i32
        %add3A_59 = arith.addi %scan3A_33, %add3A_58 : i32
        %lt3A_60 = arith.constant 10 : i32
        %lt3A_61 = arith.cmpi slt, %add3A_59, %lt3A_60 : i32
        %convert_element_type3A_62 = arith.extui %lt3A_61 : i1 to i32
        %cond3A_63 = arith.constant 0 : i32
        %cond3A_64 = arith.cmpi ne, %convert_element_type3A_62, %cond3A_63 : i32
        scf.if %cond3A_64 {
          %add3A_65 = arith.constant 2 : i32
          %add3A_66 = arith.addi %add3A_39, %add3A_65 : i32
          %dma_start3A_67 = arith.constant 0 : i32
          %dma_start3A_68 = tpu.memref_slice %arg6[%add3A_66, %dma_start3A_67] : memref<40x128xi32, #tpu.memory_space<vmem>> -> memref<1x128xi32, #tpu.memory_space<vmem>>
          %dma_start3A_69 = tpu.memref_squeeze %dma_start3A_68 : memref<1x128xi32, #tpu.memory_space<vmem>> -> memref<128xi32, #tpu.memory_space<vmem>>
          %dma_start3A_70 = arith.constant 0 : i32
          %dma_start3A_71 = arith.constant 0 : i32
          %dma_start3A_72 = tpu.memref_slice %arg3[%dma_start3A_70, %dma_start3A_71] : memref<10112x128xf32, #tpu.memory_space<hbm>> -> memref<10112x128xf32, #tpu.memory_space<hbm>>
          tpu.enqueue_indirect_dma source(%dma_start3A_72 : memref<10112x128xf32, #tpu.memory_space<hbm>>) target(%arg9 : memref<128x128xf32, #tpu.memory_space<vmem>>) offsets(%dma_start3A_69 : memref<128xi32, #tpu.memory_space<vmem>>) semaphore(%arg12 : memref<!tpu.dma_semaphore, #tpu.memory_space<semaphore_mem>>)
        } else {
        }
      }
      %scan3A_32 = arith.constant 10 : i32
    } else {
    }
    %barrier3A_9 = arith.constant 0 : index
    tpu.barrier barrier_id(%barrier3A_9)
    %mul3A_10 = arith.constant 632 : i32
    %mul3A_11 = arith.muli %arg1, %mul3A_10 : i32
    %mul3A_12 = arith.constant 632 : i32
    %mul3A_13 = arith.muli %arg1, %mul3A_12 : i32
    "tpu.region"() ({
      %run_scoped3A = tpu.sem_alloc : memref<!tpu.dma_semaphore, #tpu.memory_space<semaphore_mem>>
      %dma_start3A = arith.constant 0 : i32
      %dma_start3A_14 = tpu.memref_slice %arg5[%arg0, %mul3A_13, %dma_start3A] : memref<2x10112x128xf32, #tpu.memory_space<hbm>> -> memref<1x632x128xf32, #tpu.memory_space<hbm>>
      %dma_start3A_15 = tpu.memref_squeeze %dma_start3A_14 : memref<1x632x128xf32, #tpu.memory_space<hbm>> -> memref<632x128xf32, #tpu.memory_space<hbm>>
      %dma_start3A_16 = arith.constant 0 : i32
      %dma_start3A_17 = tpu.memref_slice %arg10[%mul3A_11, %dma_start3A_16] : memref<10112x128xf32, #tpu.memory_space<vmem_shared>> -> memref<632x128xf32, #tpu.memory_space<vmem_shared>>
      tpu.enqueue_dma source(%dma_start3A_17 : memref<632x128xf32, #tpu.memory_space<vmem_shared>>) target(%dma_start3A_15 : memref<632x128xf32, #tpu.memory_space<hbm>>) target_semaphore(%run_scoped3A : memref<!tpu.dma_semaphore, #tpu.memory_space<semaphore_mem>>)
      %dma_wait3A = arith.constant 0 : i32
      %dma_wait3A_18 = tpu.memref_slice %arg5[%arg0, %mul3A_13, %dma_wait3A] : memref<2x10112x128xf32, #tpu.memory_space<hbm>> -> memref<1x632x128xf32, #tpu.memory_space<hbm>>
      %dma_wait3A_19 = tpu.memref_squeeze %dma_wait3A_18 : memref<1x632x128xf32, #tpu.memory_space<hbm>> -> memref<632x128xf32, #tpu.memory_space<hbm>>
      %dma_wait3A_20 = arith.constant 0 : i32
      %dma_wait3A_21 = tpu.memref_slice %arg10[%mul3A_11, %dma_wait3A_20] : memref<10112x128xf32, #tpu.memory_space<vmem_shared>> -> memref<632x128xf32, #tpu.memory_space<vmem_shared>>
      tpu.wait_dma2 semaphore(%run_scoped3A : memref<!tpu.dma_semaphore, #tpu.memory_space<semaphore_mem>>) src(%dma_wait3A_21 : memref<632x128xf32, #tpu.memory_space<vmem_shared>>) dst(%dma_wait3A_19 : memref<632x128xf32, #tpu.memory_space<hbm>>)
      tpu.yield
    }) : () -> ()
    return
  }
}

module attributes {stable_mosaic.version = 14 : i64} {
  func.func @k2(%arg0: i32, %arg1: memref<1x2528x128xf32, #tpu.memory_space<vmem>>, %arg2: memref<2528x128xf32, #tpu.memory_space<vmem>>, %arg3: memref<2528x128xf32, #tpu.memory_space<vmem>>) attributes {dimension_semantics = [#tpu.dimension_semantics<arbitrary>], iteration_bounds = array<i64: 4>, scalar_prefetch = 0 : i64, scratch_operands = 0 : i64, tpu.core_type = #tpu.core_type<tc>, window_params = [{transform_indices = @transform_0, window_bounds = array<i64: 1, 2528, 128>}, {transform_indices = @transform_1, window_bounds = array<i64: 2528, 128>}, {transform_indices = @transform_2, window_bounds = array<i64: 2528, 128>}]} {
    %get3A = arith.constant 0 : index
    %get3A_0 = arith.constant 0 : index
    %get3A_1 = arith.constant 0 : index
    %get3A_2 = vector.load %arg1[%get3A, %get3A_0, %get3A_1] : memref<1x2528x128xf32, #tpu.memory_space<vmem>>, vector<1x2528x1xf32>
    %get3A_3 = vector.shape_cast %get3A_2 : vector<1x2528x1xf32> to vector<2528x1xf32>
    %max3A = arith.constant 1.000000e+00 : f32
    %max3A_4 = vector.broadcast %max3A : f32 to vector<2528x1xf32>
    %max3A_5 = arith.maximumf %get3A_3, %max3A_4 : vector<2528x1xf32>
    %rsqrt3A = math.rsqrt %max3A_5 : vector<2528x1xf32>
    %get3A_6 = arith.constant 0 : index
    %get3A_7 = arith.constant 0 : index
    %get3A_8 = vector.load %arg2[%get3A_6, %get3A_7] : memref<2528x128xf32, #tpu.memory_space<vmem>>, vector<2528x128xf32>
    %mul3A = vector.broadcast %rsqrt3A : vector<2528x1xf32> to vector<2528x128xf32>
    %mul3A_9 = arith.mulf %get3A_8, %mul3A : vector<2528x128xf32>
    %swap3A = arith.constant 0 : index
    %swap3A_10 = arith.constant 0 : index
    %swap3A_11 = vector.load %arg3[%swap3A, %swap3A_10] : memref<2528x128xf32, #tpu.memory_space<vmem>>, vector<2528x128xf32>
    tpu.vector_store %arg3[%swap3A, %swap3A_10], %mul3A_9 {strides = array<i32>} : memref<2528x128xf32, #tpu.memory_space<vmem>>, vector<2528x128xf32>,
    return
  }
  func.func @transform_0(%arg0: i32) -> (i32, i32, i32) {
    %c0_i32 = arith.constant 0 : i32
    %c0_i32_0 = arith.constant 0 : i32
    %c0_i32_1 = arith.constant 0 : i32
    return %c0_i32, %arg0, %c0_i32_0 : i32, i32, i32
  }
  func.func @transform_1(%arg0: i32) -> (i32, i32) {
    %c0_i32 = arith.constant 0 : i32
    %c0_i32_0 = arith.constant 0 : i32
    return %arg0, %c0_i32 : i32, i32
  }
  func.func @transform_2(%arg0: i32) -> (i32, i32) {
    %c0_i32 = arith.constant 0 : i32
    %c0_i32_0 = arith.constant 0 : i32
    return %arg0, %c0_i32 : i32, i32
  }
}

module attributes {stable_mosaic.version = 14 : i64} {
  func.func @k4a(%arg0: i32, %arg1: memref<2x2528x128xf32, #tpu.memory_space<vmem>>, %arg2: memref<1x2528x128xf32, #tpu.memory_space<vmem>>, %arg3: memref<2528x128xf32, #tpu.memory_space<vmem>>, %arg4: memref<128x128xf32, #tpu.memory_space<vmem>>, %arg5: memref<1x128xf32, #tpu.memory_space<vmem>>, %arg6: memref<2528x128xf32, #tpu.memory_space<vmem>>, %arg7: memref<2x128xf32, #tpu.memory_space<vmem>>) attributes {dimension_semantics = [#tpu.dimension_semantics<arbitrary>], iteration_bounds = array<i64: 4>, scalar_prefetch = 0 : i64, scratch_operands = 0 : i64, tpu.core_type = #tpu.core_type<tc>, window_params = [{transform_indices = @transform_0, window_bounds = array<i64: 2, 2528, 128>}, {transform_indices = @transform_1, window_bounds = array<i64: 1, 2528, 128>}, {transform_indices = @transform_2, window_bounds = array<i64: 2528, 128>}, {pipeline_mode = #tpu.pipeline_mode<synchronous>, transform_indices = @transform_3, window_bounds = array<i64: 128, 128>}, {pipeline_mode = #tpu.pipeline_mode<synchronous>, transform_indices = @transform_4, window_bounds = array<i64: 1, 128>}, {transform_indices = @transform_5, window_bounds = array<i64: 2528, 128>}, {pipeline_mode = #tpu.pipeline_mode<synchronous>, transform_indices = @transform_6, window_bounds = array<i64: 2, 128>}]} {
    %get3A = arith.constant 0 : index
    %get3A_0 = arith.constant 0 : index
    %get3A_1 = arith.constant 0 : index
    %get3A_2 = vector.load %arg2[%get3A, %get3A_0, %get3A_1] : memref<1x2528x128xf32, #tpu.memory_space<vmem>>, vector<1x2528x1xf32>
    %get3A_3 = vector.shape_cast %get3A_2 : vector<1x2528x1xf32> to vector<2528x1xf32>
    %max3A = arith.constant 1.000000e+00 : f32
    %max3A_4 = vector.broadcast %max3A : f32 to vector<2528x1xf32>
    %max3A_5 = arith.maximumf %get3A_3, %max3A_4 : vector<2528x1xf32>
    %rsqrt3A = math.rsqrt %max3A_5 : vector<2528x1xf32>
    %get3A_6 = arith.constant 0 : index
    %get3A_7 = arith.constant 0 : index
    %get3A_8 = arith.constant 0 : index
    %get3A_9 = vector.load %arg1[%get3A_6, %get3A_7, %get3A_8] : memref<2x2528x128xf32, #tpu.memory_space<vmem>>, vector<1x2528x128xf32>
    %get3A_10 = vector.shape_cast %get3A_9 : vector<1x2528x128xf32> to vector<2528x128xf32>
    %get3A_11 = arith.constant 1 : index
    %get3A_12 = arith.constant 0 : index
    %get3A_13 = arith.constant 0 : index
    %get3A_14 = vector.load %arg1[%get3A_11, %get3A_12, %get3A_13] : memref<2x2528x128xf32, #tpu.memory_space<vmem>>, vector<1x2528x128xf32>
    %get3A_15 = vector.shape_cast %get3A_14 : vector<1x2528x128xf32> to vector<2528x128xf32>
    %add3A = arith.addf %get3A_10, %get3A_15 : vector<2528x128xf32>
    %mul3A = vector.broadcast %rsqrt3A : vector<2528x1xf32> to vector<2528x128xf32>
    %mul3A_16 = arith.mulf %add3A, %mul3A : vector<2528x128xf32>
    %get3A_17 = arith.constant 0 : index
    %get3A_18 = arith.constant 0 : index
    %get3A_19 = vector.load %arg4[%get3A_17, %get3A_18] : memref<128x128xf32, #tpu.memory_space<vmem>>, vector<128x128xf32>
    %dot_general3A = arith.constant dense<0.000000e+00> : vector<2528x128xf32>
    %dot_general3A_20 = tpu.matmul %mul3A_16, %get3A_19, %dot_general3A {dimension_numbers = #tpu.dot_dimension_numbers<[1], [0], [0], [1], [0, 0, 1, 1], [], []>, transpose_lhs_hint = false} : vector<2528x128xf32>, vector<128x128xf32>, vector<2528x128xf32> -> vector<2528x128xf32>
    %get3A_21 = arith.constant 0 : index
    %get3A_22 = arith.constant 0 : index
    %get3A_23 = vector.load %arg5[%get3A_21, %get3A_22] : memref<1x128xf32, #tpu.memory_space<vmem>>, vector<1x128xf32>
    %add3A_24 = vector.broadcast %get3A_23 : vector<1x128xf32> to vector<2528x128xf32>
    %add3A_25 = arith.addf %dot_general3A_20, %add3A_24 : vector<2528x128xf32>
    %get3A_26 = arith.constant 0 : index
    %get3A_27 = arith.constant 0 : index
    %get3A_28 = vector.load %arg3[%get3A_26, %get3A_27] : memref<2528x128xf32, #tpu.memory_space<vmem>>, vector<2528x128xf32>
    %add3A_29 = arith.addf %add3A_25, %get3A_28 : vector<2528x128xf32>
    %swap3A = arith.constant 0 : index
    %swap3A_30 = arith.constant 0 : index
    %swap3A_31 = vector.load %arg6[%swap3A, %swap3A_30] : memref<2528x128xf32, #tpu.memory_space<vmem>>, vector<2528x128xf32>
    tpu.vector_store %arg6[%swap3A, %swap3A_30], %add3A_29 {strides = array<i32>} : memref<2528x128xf32, #tpu.memory_space<vmem>>, vector<2528x128xf32>,
    %mul3A_32 = arith.constant 2528 : i32
    %mul3A_33 = arith.muli %arg0, %mul3A_32 : i32
    %iota3A = tpu.iota {dimensions = array<i32: 0>} : vector<2528x1xi32>
    %add3A_34 = vector.broadcast %mul3A_33 : i32 to vector<2528x1xi32>
    %add3A_35 = arith.addi %add3A_34, %iota3A : vector<2528x1xi32>
    %lt3A = arith.constant 10000 : i32
    %lt3A_36 = vector.broadcast %lt3A : i32 to vector<2528x1xi32>
    %lt3A_37 = arith.cmpi slt, %add3A_35, %lt3A_36 : vector<2528x1xi32>
    %jit3A = arith.constant 0.000000e+00 : f32
    %broadcast_in_dim3A = vector.shape_cast %lt3A_37 : vector<2528x1xi1> to vector<2528x1xi1>
    %broadcast_in_dim3A_38 = vector.broadcast %broadcast_in_dim3A : vector<2528x1xi1> to vector<2528x128xi1>
    %broadcast_in_dim3A_39 = vector.broadcast %jit3A : f32 to vector<2528x128xf32>
    %select_n3A = arith.select %broadcast_in_dim3A_38, %add3A_29, %broadcast_in_dim3A_39 : vector<2528x128xi1>, vector<2528x128xf32>
    %reduce_sum3A = arith.constant dense<0.000000e+00> : vector<128xf32>
    %reduce_sum3A_40 = vector.multi_reduction <add>, %select_n3A, %reduce_sum3A [0] : vector<2528x128xf32> to vector<128xf32>
    %broadcast_in_dim3A_41 = vector.shape_cast %reduce_sum3A_40 : vector<128xf32> to vector<1x128xf32>
    %mul3A_42 = arith.mulf %select_n3A, %select_n3A : vector<2528x128xf32>
    %reduce_sum3A_43 = arith.constant dense<0.000000e+00> : vector<128xf32>
    %reduce_sum3A_44 = vector.multi_reduction <add>, %mul3A_42, %reduce_sum3A_43 [0] : vector<2528x128xf32> to vector<128xf32>
    %broadcast_in_dim3A_45 = vector.shape_cast %reduce_sum3A_44 : vector<128xf32> to vector<1x128xf32>
    %concatenate3A = tpu.concatenate %broadcast_in_dim3A_41, %broadcast_in_dim3A_45 in 0 : vector<1x128xf32>, vector<1x128xf32> -> vector<2x128xf32>
    %eq3A = arith.constant 0 : i32
    %eq3A_46 = arith.cmpi eq, %arg0, %eq3A : i32
    %convert_element_type3A = arith.extui %eq3A_46 : i1 to i32
    %cond3A = arith.constant 0 : i32
    %cond3A_47 = arith.cmpi ne, %convert_element_type3A, %cond3A : i32
    scf.if %cond3A_47 {
      %swap3A_52 = arith.constant 0 : index
      %swap3A_53 = arith.constant 0 : index
      %swap3A_54 = vector.load %arg7[%swap3A_52, %swap3A_53] : memref<2x128xf32, #tpu.memory_space<vmem>>, vector<2x128xf32>
      tpu.vector_store %arg7[%swap3A_52, %swap3A_53], %concatenate3A {strides = array<i32>} : memref<2x128xf32, #tpu.memory_space<vmem>>, vector<2x128xf32>,
    } else {
    }
    %gt3A = arith.constant 0 : i32
    %gt3A_48 = arith.cmpi sgt, %arg0, %gt3A : i32
    %convert_element_type3A_49 = arith.extui %gt3A_48 : i1 to i32
    %cond3A_50 = arith.constant 0 : i32
    %cond3A_51 = arith.cmpi ne, %convert_element_type3A_49, %cond3A_50 : i32
    scf.if %cond3A_51 {
      %get3A_52 = arith.constant 0 : index
      %get3A_53 = arith.constant 0 : index
      %get3A_54 = vector.load %arg7[%get3A_52, %get3A_53] : memref<2x128xf32, #tpu.memory_space<vmem>>, vector<2x128xf32>
      %add3A_55 = arith.addf %get3A_54, %concatenate3A : vector<2x128xf32>
      %swap3A_56 = arith.constant 0 : index
      %swap3A_57 = arith.constant 0 : index
      %swap3A_58 = vector.load %arg7[%swap3A_56, %swap3A_57] : memref<2x128xf32, #tpu.memory_space<vmem>>, vector<2x128xf32>
      tpu.vector_store %arg7[%swap3A_56, %swap3A_57], %add3A_55 {strides = array<i32>} : memref<2x128xf32, #tpu.memory_space<vmem>>, vector<2x128xf32>,
    } else {
    }
    return
  }
  func.func @transform_0(%arg0: i32) -> (i32, i32, i32) {
    %c0_i32 = arith.constant 0 : i32
    %c0_i32_0 = arith.constant 0 : i32
    %c0_i32_1 = arith.constant 0 : i32
    return %c0_i32, %arg0, %c0_i32_0 : i32, i32, i32
  }
  func.func @transform_1(%arg0: i32) -> (i32, i32, i32) {
    %c1_i32 = arith.constant 1 : i32
    %c0_i32 = arith.constant 0 : i32
    %c0_i32_0 = arith.constant 0 : i32
    return %c1_i32, %arg0, %c0_i32 : i32, i32, i32
  }
  func.func @transform_2(%arg0: i32) -> (i32, i32) {
    %c0_i32 = arith.constant 0 : i32
    %c0_i32_0 = arith.constant 0 : i32
    return %arg0, %c0_i32 : i32, i32
  }
  func.func @transform_3(%arg0: i32) -> (i32, i32) {
    %c0_i32 = arith.constant 0 : i32
    %c0_i32_0 = arith.constant 0 : i32
    %c0_i32_1 = arith.constant 0 : i32
    return %c0_i32, %c0_i32_0 : i32, i32
  }
  func.func @transform_4(%arg0: i32) -> (i32, i32) {
    %c0_i32 = arith.constant 0 : i32
    %c0_i32_0 = arith.constant 0 : i32
    %c0_i32_1 = arith.constant 0 : i32
    return %c0_i32, %c0_i32_0 : i32, i32
  }
  func.func @transform_5(%arg0: i32) -> (i32, i32) {
    %c0_i32 = arith.constant 0 : i32
    %c0_i32_0 = arith.constant 0 : i32
    return %arg0, %c0_i32 : i32, i32
  }
  func.func @transform_6(%arg0: i32) -> (i32, i32) {
    %c0_i32 = arith.constant 0 : i32
    %c0_i32_0 = arith.constant 0 : i32
    %c0_i32_1 = arith.constant 0 : i32
    return %c0_i32, %c0_i32_0 : i32, i32
  }
}

module attributes {stable_mosaic.version = 14 : i64} {
  func.func @k4b(%arg0: i32, %arg1: memref<2528x128xf32, #tpu.memory_space<vmem>>, %arg2: memref<2x128xf32, #tpu.memory_space<vmem>>, %arg3: memref<1x128xf32, #tpu.memory_space<vmem>>, %arg4: memref<1x128xf32, #tpu.memory_space<vmem>>, %arg5: memref<2528x128xf32, #tpu.memory_space<vmem>>) attributes {dimension_semantics = [#tpu.dimension_semantics<arbitrary>], iteration_bounds = array<i64: 4>, scalar_prefetch = 0 : i64, scratch_operands = 0 : i64, tpu.core_type = #tpu.core_type<tc>, window_params = [{transform_indices = @transform_0, window_bounds = array<i64: 2528, 128>}, {pipeline_mode = #tpu.pipeline_mode<synchronous>, transform_indices = @transform_1, window_bounds = array<i64: 2, 128>}, {pipeline_mode = #tpu.pipeline_mode<synchronous>, transform_indices = @transform_2, window_bounds = array<i64: 1, 128>}, {pipeline_mode = #tpu.pipeline_mode<synchronous>, transform_indices = @transform_3, window_bounds = array<i64: 1, 128>}, {transform_indices = @transform_4, window_bounds = array<i64: 2528, 128>}]} {
    %get3A = arith.constant 0 : index
    %get3A_0 = arith.constant 0 : index
    %get3A_1 = vector.load %arg2[%get3A, %get3A_0] : memref<2x128xf32, #tpu.memory_space<vmem>>, vector<1x128xf32>
    %mul3A = arith.constant 9.99999974E-5 : f32
    %mul3A_2 = vector.broadcast %mul3A : f32 to vector<1x128xf32>
    %mul3A_3 = arith.mulf %get3A_1, %mul3A_2 : vector<1x128xf32>
    %get3A_4 = arith.constant 1 : index
    %get3A_5 = arith.constant 0 : index
    %get3A_6 = vector.load %arg2[%get3A_4, %get3A_5] : memref<2x128xf32, #tpu.memory_space<vmem>>, vector<1x128xf32>
    %mul3A_7 = arith.constant 9.99999974E-5 : f32
    %mul3A_8 = vector.broadcast %mul3A_7 : f32 to vector<1x128xf32>
    %mul3A_9 = arith.mulf %get3A_6, %mul3A_8 : vector<1x128xf32>
    %mul3A_10 = arith.mulf %mul3A_3, %mul3A_3 : vector<1x128xf32>
    %sub3A = arith.subf %mul3A_9, %mul3A_10 : vector<1x128xf32>
    %add3A = arith.constant 9.99999974E-6 : f32
    %add3A_11 = vector.broadcast %add3A : f32 to vector<1x128xf32>
    %add3A_12 = arith.addf %sub3A, %add3A_11 : vector<1x128xf32>
    %rsqrt3A = math.rsqrt %add3A_12 : vector<1x128xf32>
    %get3A_13 = arith.constant 0 : index
    %get3A_14 = arith.constant 0 : index
    %get3A_15 = vector.load %arg1[%get3A_13, %get3A_14] : memref<2528x128xf32, #tpu.memory_space<vmem>>, vector<2528x128xf32>
    %sub3A_16 = vector.broadcast %mul3A_3 : vector<1x128xf32> to vector<2528x128xf32>
    %sub3A_17 = arith.subf %get3A_15, %sub3A_16 : vector<2528x128xf32>
    %get3A_18 = arith.constant 0 : index
    %get3A_19 = arith.constant 0 : index
    %get3A_20 = vector.load %arg3[%get3A_18, %get3A_19] : memref<1x128xf32, #tpu.memory_space<vmem>>, vector<1x128xf32>
    %mul3A_21 = arith.mulf %rsqrt3A, %get3A_20 : vector<1x128xf32>
    %mul3A_22 = vector.broadcast %mul3A_21 : vector<1x128xf32> to vector<2528x128xf32>
    %mul3A_23 = arith.mulf %sub3A_17, %mul3A_22 : vector<2528x128xf32>
    %get3A_24 = arith.constant 0 : index
    %get3A_25 = arith.constant 0 : index
    %get3A_26 = vector.load %arg4[%get3A_24, %get3A_25] : memref<1x128xf32, #tpu.memory_space<vmem>>, vector<1x128xf32>
    %add3A_27 = vector.broadcast %get3A_26 : vector<1x128xf32> to vector<2528x128xf32>
    %add3A_28 = arith.addf %mul3A_23, %add3A_27 : vector<2528x128xf32>
    %swap3A = arith.constant 0 : index
    %swap3A_29 = arith.constant 0 : index
    %swap3A_30 = vector.load %arg5[%swap3A, %swap3A_29] : memref<2528x128xf32, #tpu.memory_space<vmem>>, vector<2528x128xf32>
    tpu.vector_store %arg5[%swap3A, %swap3A_29], %add3A_28 {strides = array<i32>} : memref<2528x128xf32, #tpu.memory_space<vmem>>, vector<2528x128xf32>,
    return
  }
  func.func @transform_0(%arg0: i32) -> (i32, i32) {
    %c0_i32 = arith.constant 0 : i32
    %c0_i32_0 = arith.constant 0 : i32
    return %arg0, %c0_i32 : i32, i32
  }
  func.func @transform_1(%arg0: i32) -> (i32, i32) {
    %c0_i32 = arith.constant 0 : i32
    %c0_i32_0 = arith.constant 0 : i32
    %c0_i32_1 = arith.constant 0 : i32
    return %c0_i32, %c0_i32_0 : i32, i32
  }
  func.func @transform_2(%arg0: i32) -> (i32, i32) {
    %c0_i32 = arith.constant 0 : i32
    %c0_i32_0 = arith.constant 0 : i32
    %c0_i32_1 = arith.constant 0 : i32
    return %c0_i32, %c0_i32_0 : i32, i32
  }
  func.func @transform_3(%arg0: i32) -> (i32, i32) {
    %c0_i32 = arith.constant 0 : i32
    %c0_i32_0 = arith.constant 0 : i32
    %c0_i32_1 = arith.constant 0 : i32
    return %c0_i32, %c0_i32_0 : i32, i32
  }
  func.func @transform_4(%arg0: i32) -> (i32, i32) {
    %c0_i32 = arith.constant 0 : i32
    %c0_i32_0 = arith.constant 0 : i32
    return %arg0, %c0_i32 : i32, i32
  }
}

</mosaic_0001>

<sc_bundles>
// kernel: kernel.10.cloned.1.call-start
scs
__scs_entry_jumppad:
0x0: {  	(pc) =	sbr.rel $0x88, $3  }
0x1: {  	(tag) =	ssettag $0x0;
	lr =	simm.s32 $0x1  }
0x2: {  	[smem:$0x3F9B] =	sst lr;
	_ =	strace $0xD0000000  }
0x3: {  	_ = 	snop  }
0x4: {  	_ = 	snop  }
0x5: {  	_ = 	snop  }
0x6: {  	_ = 	snop  }
0x7: {  	_ = 	snop  }
__scs_overlays_trampoline_lowered:
0x8: {  	[smem:$0x3FAA] =	sst s0  }
0x9: {  	[smem:$0x3FAB] =	sst s1  }
0xa: {  	[smem:$0x3FAC] =	sst s2  }
0xb: {  	[smem:$0x3FAD] =	sst s3  }
0xc: {  	[smem:$0x3FAE] =	sst s4  }
0xd: {  	[smem:$0x3FAF] =	sst s5  }
0xe: {  	[smem:$0x3FB0] =	sst s6  }
0xf: {  	[smem:$0x3FB1] =	sst s7  }
0x10: {  	[smem:$0x3FB2] =	sst s8  }
0x11: {  	[smem:$0x3FB3] =	sst s9;
	s0 =	simm.s32 @!p0 $0x0  }
0x12: {  	s1 =	sld [smem:$0x3F99];
	s0 =	simm.s32 @p0 $0x1  }
0x13: {  	[smem:$0x3FB4] =	sst s0;
	s0 =	simm.s32 @!p1 $0x0  }
0x14: {  	s2 =	sld [smem:$0x3F98];
	s0 =	simm.s32 @p1 $0x1  }
0x15: {  	[smem:$0x3FB5] =	sst s0;
	s0 =	simm.s32 @!p2 $0x0  }
0x16: {  	s3 =	sld [smem:$0x3FDB];
	s0 =	simm.s32 @p2 $0x1  }
0x17: {  	s4 =	simm.s32 $0x1BF5;
	[smem:$0x3FB7] =	sst s0  }
0x18: {  	s0 =	sld [smem:$0x3F9A];
	_ =	swait.ge [sflag:s4], $0x0  }
0x19: {  	s7 =	sld [smem:$0x3F9B]  }
0x1a: {  	s8 =	sadd.s32 $0xFFFFE003, lr  }
0x1b: {  	s9 =	sadd.s32 $0xFFFFFEF7, lr;
	s5 =	simm.s32 $0xFFFFFFFF;
	p2 =	slt.u32 s8, $0xFFFFF086  }
0x1c: {  	p1 =	slt.u32 s9, $0xF7A;
	s5 =	simm.s32 @!p2 $0x0  }
0x1d: {  	s5 =	simm.s32 @p1 $0x1;
	p0 =	seq.s32 s7, s2  }
0x1e: {  	s7 =	smul.u32 @!p0 $0xF7A, s2;
	p2 =	seq.s32 @!p0 s5, $0x0  }
0x1f: {  	s9 =	smul.u32 $0xF7A, s1;
	s8 =	simm.s32 @!p0 $0x1BF5;
	p2 =	por !p2, p0  }
0x20: {  	[sflag:s8] =	ssyncset.s32 @!p0 $0xFFFFF086;
	s6 =	sadd.s32 @!p0 s3, s7;
	s7 =	simm.s32 @!p0 $0x108  }
0x21: {  	s3 =	sadd.s32 s3, s9;
	s6 =	sadd.s32 @!p0 $0x88, s6;
	s7 =	simm.s32 @p2 $0x1082  }
0x22: {  	[simem:s7], [sflag:s8] =	dma.local @!p0 [hbm:s6], $0xF7A  }
0x23: {  	s9 =	sor.u32 $0xD0000000, s2;
	s6 =	simm.s32 $0x108;
	_ =	swait.ge @!p0 [sflag:s8], $0x0  }
0x24: {  	s3 =	sadd.s32 $0x88, s3;
	s6 =	simm.s32 @!p1 $0x1082;
	[sflag:s4] =	ssyncset.s32 $0xFFFFF086  }
0x25: {  	[simem:s6], [sflag:s4] =	dma.local [hbm:s3], $0xF7A  }
0x26: {  	[smem:$0x3F9B] =	sst s1;
	(tag) =	ssettag s2;
	_ =	strace s9  }
0x27: {  	s1 =	sld [smem:$0x3FAB]  }
0x28: {  	s2 =	sld [smem:$0x3FAC]  }
0x29: {  	s4 =	sld [smem:$0x3FAE]  }
0x2a: {  	p0 =	seq.s32 s5, $0x0;
	s5 =	sld [smem:$0x3FAF]  }
0x2b: {  	s6 =	sld [smem:$0x3FB0]  }
0x2c: {  	s7 =	sld [smem:$0x3FB1]  }
0x2d: {  	s3 =	simm.s32 $0x108;
	s8 =	sld [smem:$0x3FB2]  }
0x2e: {  	s3 =	simm.s32 @!p0 $0x1082;
	s9 =	sld [smem:$0x3FB3]  }
0x2f: {  	lr =	sadd.s32 s0, s3;
	s0 =	sld [smem:$0x3FAA]  }
0x30: {  	s3 =	sld [smem:$0x3FAD]  }
0x31: {  	[smem:$0x3FB6] =	sst s10  }
0x32: {  	s10 =	sld [smem:$0x3FB4];
	_ =	sdelay $0x3  }
0x33: {  	p0 =	seq.s32 s10, $0x1;
	s10 =	sld [smem:$0x3FB6];
	_ =	sdelay $0x3  }
0x34: {  	[smem:$0x3FB6] =	sst s10  }
0x35: {  	s10 =	sld [smem:$0x3FB5];
	_ =	sdelay $0x3  }
0x36: {  	p1 =	seq.s32 s10, $0x1;
	s10 =	sld [smem:$0x3FB6];
	_ =	sdelay $0x3  }
0x37: {  	[smem:$0x3FB6] =	sst s10  }
0x38: {  	s10 =	sld [smem:$0x3FB7]  }
0x39: {  	_ = 	snop;
	(pc) =	sbr.ind lr, $3  }
0x3a: {  	_ = 	snop  }
0x3b: {  	_ = 	snop  }
0x3c: {  	p2 =	seq.s32 s10, $0x1;
	s10 =	sld [smem:$0x3FB6]  }
0x3d: {  	_ =	shalt  }
0x3e: {  	_ =	shalt  }
0x3f: {  	_ =	shalt  }
0x40: {  	_ =	shalt  }
0x41: {  	_ =	shalt  }
0x42: {  	_ =	shalt  }
0x43: {  	_ =	shalt  }
0x44: {  	_ =	shalt  }
0x45: {  	_ =	shalt  }
0x46: {  	_ =	shalt  }
0x47: {  	_ =	shalt  }
0x48: {  	_ =	shalt  }
0x49: {  	_ =	shalt  }
0x4a: {  	_ =	shalt  }
0x4b: {  	_ =	shalt  }
0x4c: {  	_ =	shalt  }
0x4d: {  	_ =	shalt  }
0x4e: {  	_ =	shalt  }
0x4f: {  	_ =	shalt  }
0x50: {  	_ =	shalt  }
0x51: {  	_ =	shalt  }
0x52: {  	_ =	shalt  }
0x53: {  	_ =	shalt  }
0x54: {  	_ =	shalt  }
0x55: {  	_ =	shalt  }
0x56: {  	_ =	shalt  }
0x57: {  	_ =	shalt  }
0x58: {  	_ =	shalt  }
0x59: {  	_ =	shalt  }
0x5a: {  	_ =	shalt  }
0x5b: {  	_ =	shalt  }
0x5c: {  	_ =	shalt  }
0x5d: {  	_ =	shalt  }
0x5e: {  	_ =	shalt  }
0x5f: {  	_ =	shalt  }
0x60: {  	_ =	shalt  }
0x61: {  	_ =	shalt  }
0x62: {  	_ =	shalt  }
0x63: {  	_ =	shalt  }
0x64: {  	_ =	shalt  }
0x65: {  	_ =	shalt  }
0x66: {  	_ =	shalt  }
0x67: {  	_ =	shalt  }
0x68: {  	_ =	shalt  }
0x69: {  	_ =	shalt  }
0x6a: {  	_ =	shalt  }
0x6b: {  	_ =	shalt  }
0x6c: {  	_ =	shalt  }
0x6d: {  	_ =	shalt  }
0x6e: {  	_ =	shalt  }
0x6f: {  	_ =	shalt  }
0x70: {  	_ =	shalt  }
0x71: {  	_ =	shalt  }
0x72: {  	_ =	shalt  }
0x73: {  	_ =	shalt  }
0x74: {  	_ =	shalt  }
0x75: {  	_ =	shalt  }
0x76: {  	_ =	shalt  }
0x77: {  	_ =	shalt  }
0x78: {  	_ =	shalt  }
0x79: {  	_ =	shalt  }
0x7a: {  	_ =	shalt  }
0x7b: {  	_ =	shalt  }
0x7c: {  	_ =	shalt  }
0x7d: {  	_ =	shalt  }
0x7e: {  	_ =	shalt  }
0x7f: {  	_ =	shalt  }
0x80: {  	_ =	shalt  }
0x81: {  	_ =	shalt  }
0x82: {  	_ =	shalt  }
0x83: {  	_ =	shalt  }
0x84: {  	_ =	shalt  }
0x85: {  	_ =	shalt  }
0x86: {  	_ =	shalt  }
0x87: {  	_ =	shalt  }
.Lfunc_end0:
.L_simem_size_0:
called_computation.1_lowered:
.L_overlay_start_0:
0x88: {  	s2 =	sld [smem:$0x3FD9]  }
0x89: {  	s3 =	sld [smem:$0x3FFE];
	_ =	sdelay $0x1  }
0x8a: {  	s1 =	srdreg.scid  }
0x8b: {  	s0 =	sand.u32 $0x1, s1  }
0x8c: {  	s17 =	sshll.u32 s0, $0xA;
	s2 =	sadd.s32 s3, s2  }
0x8d: {  	s2 =	sadd.s32 s2, s17  }
0x8e: {  	[smem:$0x3FC2] =	sst s2  }
0x8f: {  	_ = 	snop  }
0x90: {  	s2 =	sld [smem:$0x3FD0];
	(tm) =	ssettm $0x1  }
0x91: {  	s18 =	sld [smem:$0x3FFB];
	_ =	sdelay $0x3  }
0x92: {  	_ =	strace s18  }
0x93: {  	s3 =	sld [smem:$0x3FFC];
	_ =	sdelay $0x3  }
0x94: {  	_ =	strace s3  }
0x95: {  	s3 =	sld [smem:$0x3FFD];
	_ =	sdelay $0x3  }
0x96: {  	_ =	strace s3  }
0x97: {  	_ =	strace $0x8FFFFFFF  }
0x98: {  	s19 =	sld [smem:$0x3FDB];
	_ =	sdelay $0x1  }
0x99: {  	s4 =	simm.s32 $_scs_section_size  }
0x9a: {  	s5 =	simm.s32 $_size__tile_overlayer_lowered;
	s6 =	simm.s32 $_tile_overlayer_lowered  }
0x9b: {  	s22 =	simm.s32 $0x1BFF;
	s21 =	sshll.u32 s6, $0x1;
	s3 =	sadd.s32 s4, s19  }
0x9c: {  	s7 =	simm.s32 $0x0;
	s20 =	sshll.u32 s5, $0x1;
	s5 =	sadd.s32 s21, s3  }
0x9d: {  	[timem:s7], [sflag:s22] =	dma.local [hbm:s5], s20  }
0x9e: {  	_ =	swait.ge [sflag:s22], s20  }
0x9f: {  	s4 =	ssub.s32 $0x0, s20;
	[sflag:s22] =	ssyncset.done $0x0  }
0xa0: {  	[sflag:s22] =	ssyncadd.s32 s4;
	_ =	sdelay $0x1  }
0xa1: {  	s23 =	simm.s32 $0x1B8B  }
0xa2: {  	_ =	swait.ge [sflag:s23], $0x1  }
0xa3: {  	[sflag:s23] =	ssyncset.done $0x0  }
0xa4: {  	s25 =	simm.s32 $0x1B8E;
	s24 =	sld [smem:$0x3FFE];
	[sflag:s23] =	ssyncadd.s32 $0xFFFFFFFF  }
0xa5: {  	s26 =	simm.s32 $execute0_lowered;
	[smem:$0x3FD2] =	sst s25  }
0xa6: {  	s5 =	sshll.u32 s26, $0x1;
	_ =	strace $0x80000049;
	[dreg:$0x1] =	wrdreg $0xFFFFFFFF  }
0xa7: {  	s28 =	simm.s32 $_size_execute0_lowered;
	s3 =	sadd.s32 s3, s5;
	[dreg:$0x0] =	wrdreg $0x0  }
0xa8: {  	s5 =	sshll.u32 s28, $0x1;
	[dreg:$0x2] =	wrdreg s3  }
0xa9: {  	[dreg:$0x3] =	wrdreg s5  }
0xaa: {  	[dreg:$0x4] =	wrdreg $0xC0  }
0xab: {  	_ =	task [dreg:s7], $0x5FFFF  }
0xac: {  	[dreg:$0x1] =	wrdreg $0xFFFFFFFF  }
0xad: {  	[dreg:$0x0] =	wrdreg $0x60  }
0xae: {  	[dreg:$0x2] =	wrdreg s2  }
0xaf: {  	[dreg:$0x3] =	wrdreg s24  }
0xb0: {  	[dreg:$0x4] =	wrdreg $0xA8000  }
0xb1: {  	[dreg:$0x5] =	wrdreg $0x9  }
0xb2: {  	_ =	task.clear_ibuf [dreg:s7], $0x6FFFF;
	_ =	strace $0x90000049  }
0xb3: {  	s29 =	simm.s32 $0x9;
	_ =	strace $0x8000004B  }
0xb4: {  	_ =	swait.ge [sflag:s29], $0x1  }
0xb5: {  	[sflag:s29] =	ssyncadd.s32 $0xFFFFFFFF  }
0xb6: {  	_ =	strace $0x9000004B  }
0xb7: {  	_ =	sfence  }
0xb8: {  	s30 =	sld [smem:$0x0];
	_ =	sdelay $0x2  }
0xb9: {  	s31 =	sshll.u32 s1, $0xD;
	s1 =	sshrl.u32 s1, $0x2  }
0xba: {  	s3 =	sand.u32 $0x4000, s31;
	s1 =	sadd.s32 s1, s30  }
0xbb: {  	s0 =	sor.u32 s3, s0;
	s1 =	sshll.u32 s1, $0x11  }
0xbc: {  	s0 =	sor.u32 s1, s0  }
0xbd: {  	s0 =	sadd.s32 $0x8F2B, s0  }
0xbe: {  	[sflag:s0] =	ssyncadd.remote.s32 $0x1  }
0xbf: {  	_ =	sfence.sel $0xFFFF  }
0xc0: {  	[dreg:$0x0] =	wrdreg $0xFFFFFFFF;
	(pc) =	sbr.abs _section_cstart, $3  }
0xc1: {  	[dreg:$0x1] =	wrdreg $0xFFFFFFFF  }
0xc2: {  	_ =	task.clear_ibuf [dreg:s7], $0x2FFFF;
	_ =	strace $0x9FFFFFFF  }
0xc3: {  	(tm) =	ssettm $0x7FFFFFFF  }
tec
execute0_lowered:
.L_overlay_start_1:
0x0: {  	(tag) =	ssettag $0x1  }
0x1: {  	s0 =	rddreg [dreg:$0x0]  }
0x2: {  	s2 =	rddreg [dreg:$0x1]  }
0x3: {  	s1 =	rddreg [dreg:$0x2]  }
0x4: {  	s3 =	srdreg.scid;
	s11 =	stileid.u32  }
0x5: {  	s17 =	simm.s32 $0x1400;
	s18 =	simm.s32 $0x80;
	s19 =	simm.s32 $0x2800  }
0x6: {  	s20 =	simm.s32 $0x6800;
	s21 =	simm.s32 $0x1;
	s28 =	simm.s32 $0x980  }
0x7: {  	s29 =	simm.s32 $0x2700;
	s30 =	simm.s32 $0x2780;
	s31 =	simm.s32 $0x0  }
0x8: {  	s5 =	sand.u32 $0x1, s3;
	s3 =	simm.s32 $0x0;
	s7 =	smul.u32 $0x13C00, s11  }
0x9: {  	s4 =	sadd.s32 $0x54000, s2;
	s23 =	smul.u32 $0x4F000, s11;
	s25 =	sshll.u32 s11, $0x6  }
0xa: {  	s12 =	sadd.s32 $0x13780, s0;
	s6 =	smul.u32 $0x13C000, s5;
	[smem:$0x7FF] =	sst s3  }
0xb: {  	s22 =	sshll.u32 s5, $0x4;
	s8 =	ssub.s32 $0x2, s5;
	s5 =	sadd.s32 $0x2800, s2  }
0xc: {  	_ =	strace $0x8000004A;
	s15 =	sor.u32 s11, s22;
	s9 =	sshrl.u32 s8, $0x1  }
0xd: {  	s24 =	sshrl.u32 s23, $0x2;
	s11 =	sadd.s32 $0x9B00, s0;
	s23 =	simm.s32 $0x2  }
0xe: {  	s6 =	sadd.s32 s7, s6;
	s10 =	smul.u32 $0x2800, s15;
	s14 =	ssub.s32 s8, s9  }
0xf: {  	s16 =	sadd.s32 s24, s1;
	p0 =	seq.s32 s15, $0x1F;
	s24 =	simm.s32 $0x1C00  }
.Ltmp0:
0x10: {  	s6 =	sshrl.u32 s6, $0x3;
	s14 =	smax.u32 s14, $0x1;
	(pc) =	sbr.rel .LBB2_1-.Ltmp0, $4  }
0x11: {  	s15 =	sshrl.u32 s16, $0x3;
	s16 =	simm.s32 $0x3;
	s2 =	sadd.s32 s6, s2  }
0x12: {  	s26 =	sshrl.u32 s10, $0x3;
	s6 =	sor.u32 $0x1C03, s25;
	s25 =	simm.s32 $0x900  }
0x13: {  	s7 =	sadd.s32 s0, s26;
	s13 =	sadd.s32 $0x7B800, s2;
	s26 =	simm.s32 $0x1C80  }
0x14: {  	s8 =	sadd.s32 $0x9C80, s7;
	s9 =	sadd.s32 $0x280, s7;
	s10 =	sadd.s32 $0x9F00, s7  }
.LBB2_7:
0x15: {  	[tilespmem:s3], [sflag:$0x3] =	stream.linear.gather [hbm4b:s11+s3], $0xA00, $0x38;
	[tilespmem:$0x1E400] =	vst v63  }
0x16: {  	_ =	swait.ge [sflag:s16], $0xA00  }
0x17: {  	[sflag:s16] =	ssyncset.done $0x0  }
0x18: {  	[sflag:s16] =	ssyncadd.s32 $0xFFFFF600  }
0x19: {  	[tilespmem:s17], [sflag:$0x3] =	stream.linear.gather [hbm4b:s12+s3], $0xA00, $0x38;
	[tilespmem:$0x1E400] =	vst v63  }
0x1a: {  	_ =	swait.ge [sflag:s16], $0xA00  }
0x1b: {  	[sflag:s16] =	ssyncset.done $0x0  }
0x1c: {  	[sflag:s16] =	ssyncadd.s32 $0xFFFFF600  }
0x1d: {  	[tilespmem:s19], [sflag:$0x1] =	stream.indirect.gather [hbm4b:s4+s18], $0x80, s3, s18, $0xb8;
	[tilespmem:$0x1E400] =	vst v63  }
0x1e: {  	_ = 	snop  }
0x1f: {  	[tilespmem:s20], [sflag:$0x2] =	stream.indirect.gather [hbm4b:s4+s18], $0x80, s18, s18, $0xb8;
	[tilespmem:$0x1E400] =	vst v63  }
0x20: {  	_ =	swait.ge [sflag:s21], $0x4000  }
0x21: {  	[sflag:s21] =	ssyncset.done $0x0  }
0x22: {  	[sflag:s21] =	ssyncadd.s32 $0xFFFFC000  }
0x23: {  	[spmem:s1] =	stream.indirect.scatter.add.f32 [tilespmem:s19], [sflag:$0x3], $0x80, s17, s18, $0xb8;
	[tilespmem:$0x1E400] =	vst v63  }
0x24: {  	_ =	swait.ge [sflag:s16], $0x4000  }
0x25: {  	[sflag:s16] =	ssyncset.done $0x0  }
0x26: {  	s0 =	simm.s32 $0x100;
	[sflag:s16] =	ssyncadd.s32 $0xFFFFC000  }
0x27: {  	[tilespmem:s19], [sflag:$0x1] =	stream.indirect.gather [hbm4b:s4+s18], $0x80, s0, s18, $0xb8;
	[tilespmem:$0x1E400] =	vst v63  }
0x28: {  	_ =	swait.ge [sflag:s23], $0x4000  }
0x29: {  	[sflag:s23] =	ssyncset.done $0x0  }
0x2a: {  	s2 =	simm.s32 $0x1480;
	[sflag:s23] =	ssyncadd.s32 $0xFFFFC000  }
0x2b: {  	[spmem:s1] =	stream.indirect.scatter.add.f32 [tilespmem:s20], [sflag:$0x3], $0x80, s2, s18, $0xb8;
	[tilespmem:$0x1E400] =	vst v63  }
0x2c: {  	_ =	swait.ge [sflag:s16], $0x4000  }
0x2d: {  	[sflag:s16] =	ssyncset.done $0x0  }
0x2e: {  	s22 =	simm.s32 $0x180;
	[sflag:s16] =	ssyncadd.s32 $0xFFFFC000  }
0x2f: {  	[tilespmem:s20], [sflag:$0x2] =	stream.indirect.gather [hbm4b:s4+s18], $0x80, s22, s18, $0xb8;
	[tilespmem:$0x1E400] =	vst v63  }
0x30: {  	_ =	swait.ge [sflag:s21], $0x4000  }
0x31: {  	[sflag:s21] =	ssyncset.done $0x0  }
0x32: {  	s2 =	simm.s32 $0x1500;
	[sflag:s21] =	ssyncadd.s32 $0xFFFFC000  }
0x33: {  	[spmem:s1] =	stream.indirect.scatter.add.f32 [tilespmem:s19], [sflag:$0x3], $0x80, s2, s18, $0xb8;
	[tilespmem:$0x1E400] =	vst v63  }
0x34: {  	_ =	swait.ge [sflag:s16], $0x4000  }
0x35: {  	[sflag:s16] =	ssyncset.done $0x0  }
0x36: {  	s22 =	simm.s32 $0x200;
	[sflag:s16] =	ssyncadd.s32 $0xFFFFC000  }
0x37: {  	[tilespmem:s19], [sflag:$0x1] =	stream.indirect.gather [hbm4b:s4+s18], $0x80, s22, s18, $0xb8;
	[tilespmem:$0x1E400] =	vst v63  }
0x38: {  	_ =	swait.ge [sflag:s23], $0x4000  }
0x39: {  	[sflag:s23] =	ssyncset.done $0x0  }
0x3a: {  	s2 =	simm.s32 $0x1580;
	[sflag:s23] =	ssyncadd.s32 $0xFFFFC000  }
0x3b: {  	[spmem:s1] =	stream.indirect.scatter.add.f32 [tilespmem:s20], [sflag:$0x3], $0x80, s2, s18, $0xb8;
	[tilespmem:$0x1E400] =	vst v63  }
0x3c: {  	_ =	swait.ge [sflag:s16], $0x4000  }
0x3d: {  	[sflag:s16] =	ssyncset.done $0x0  }
0x3e: {  	s22 =	simm.s32 $0x280;
	[sflag:s16] =	ssyncadd.s32 $0xFFFFC000  }
0x3f: {  	[tilespmem:s20], [sflag:$0x2] =	stream.indirect.gather [hbm4b:s4+s18], $0x80, s22, s18, $0xb8;
	[tilespmem:$0x1E400] =	vst v63  }
0x40: {  	_ =	swait.ge [sflag:s21], $0x4000  }
0x41: {  	[sflag:s21] =	ssyncset.done $0x0  }
0x42: {  	s2 =	simm.s32 $0x1600;
	[sflag:s21] =	ssyncadd.s32 $0xFFFFC000  }
0x43: {  	[spmem:s1] =	stream.indirect.scatter.add.f32 [tilespmem:s19], [sflag:$0x3], $0x80, s2, s18, $0xb8;
	[tilespmem:$0x1E400] =	vst v63  }
0x44: {  	_ =	swait.ge [sflag:s16], $0x4000  }
0x45: {  	[sflag:s16] =	ssyncset.done $0x0  }
0x46: {  	s22 =	simm.s32 $0x300;
	[sflag:s16] =	ssyncadd.s32 $0xFFFFC000  }
0x47: {  	[tilespmem:s19], [sflag:$0x1] =	stream.indirect.gather [hbm4b:s4+s18], $0x80, s22, s18, $0xb8;
	[tilespmem:$0x1E400] =	vst v63  }
0x48: {  	_ =	swait.ge [sflag:s23], $0x4000  }
0x49: {  	[sflag:s23] =	ssyncset.done $0x0  }
0x4a: {  	s2 =	simm.s32 $0x1680;
	[sflag:s23] =	ssyncadd.s32 $0xFFFFC000  }
0x4b: {  	[spmem:s1] =	stream.indirect.scatter.add.f32 [tilespmem:s20], [sflag:$0x3], $0x80, s2, s18, $0xb8;
	[tilespmem:$0x1E400] =	vst v63  }
0x4c: {  	_ =	swait.ge [sflag:s16], $0x4000  }
0x4d: {  	[sflag:s16] =	ssyncset.done $0x0  }
0x4e: {  	s22 =	simm.s32 $0x380;
	[sflag:s16] =	ssyncadd.s32 $0xFFFFC000  }
0x4f: {  	[tilespmem:s20], [sflag:$0x2] =	stream.indirect.gather [hbm4b:s4+s18], $0x80, s22, s18, $0xb8;
	[tilespmem:$0x1E400] =	vst v63  }
0x50: {  	_ =	swait.ge [sflag:s21], $0x4000  }
0x51: {  	[sflag:s21] =	ssyncset.done $0x0  }
0x52: {  	s2 =	simm.s32 $0x1700;
	[sflag:s21] =	ssyncadd.s32 $0xFFFFC000  }
0x53: {  	[spmem:s1] =	stream.indirect.scatter.add.f32 [tilespmem:s19], [sflag:$0x3], $0x80, s2, s18, $0xb8;
	[tilespmem:$0x1E400] =	vst v63  }
0x54: {  	_ =	swait.ge [sflag:s16], $0x4000  }
0x55: {  	[sflag:s16] =	ssyncset.done $0x0  }
0x56: {  	s22 =	simm.s32 $0x400;
	[sflag:s16] =	ssyncadd.s32 $0xFFFFC000  }
0x57: {  	[tilespmem:s19], [sflag:$0x1] =	stream.indirect.gather [hbm4b:s4+s18], $0x80, s22, s18, $0xb8;
	[tilespmem:$0x1E400] =	vst v63  }
0x58: {  	_ =	swait.ge [sflag:s23], $0x4000  }
0x59: {  	[sflag:s23] =	ssyncset.done $0x0  }
0x5a: {  	s2 =	simm.s32 $0x1780;
	[sflag:s23] =	ssyncadd.s32 $0xFFFFC000  }
0x5b: {  	[spmem:s1] =	stream.indirect.scatter.add.f32 [tilespmem:s20], [sflag:$0x3], $0x80, s2, s18, $0xb8;
	[tilespmem:$0x1E400] =	vst v63  }
0x5c: {  	_ =	swait.ge [sflag:s16], $0x4000  }
0x5d: {  	[sflag:s16] =	ssyncset.done $0x0  }
0x5e: {  	s22 =	simm.s32 $0x480;
	[sflag:s16] =	ssyncadd.s32 $0xFFFFC000  }
0x5f: {  	[tilespmem:s20], [sflag:$0x2] =	stream.indirect.gather [hbm4b:s4+s18], $0x80, s22, s18, $0xb8;
	[tilespmem:$0x1E400] =	vst v63  }
0x60: {  	_ =	swait.ge [sflag:s21], $0x4000  }
0x61: {  	[sflag:s21] =	ssyncset.done $0x0  }
0x62: {  	s2 =	simm.s32 $0x1800;
	[sflag:s21] =	ssyncadd.s32 $0xFFFFC000  }
0x63: {  	[spmem:s1] =	stream.indirect.scatter.add.f32 [tilespmem:s19], [sflag:$0x3], $0x80, s2, s18, $0xb8;
	[tilespmem:$0x1E400] =	vst v63  }
0x64: {  	_ =	swait.ge [sflag:s16], $0x4000  }
0x65: {  	[sflag:s16] =	ssyncset.done $0x0  }
0x66: {  	s22 =	simm.s32 $0x500;
	[sflag:s16] =	ssyncadd.s32 $0xFFFFC000  }
0x67: {  	[tilespmem:s19], [sflag:$0x1] =	stream.indirect.gather [hbm4b:s4+s18], $0x80, s22, s18, $0xb8;
	[tilespmem:$0x1E400] =	vst v63  }
0x68: {  	_ =	swait.ge [sflag:s23], $0x4000  }
0x69: {  	[sflag:s23] =	ssyncset.done $0x0  }
0x6a: {  	s2 =	simm.s32 $0x1880;
	[sflag:s23] =	ssyncadd.s32 $0xFFFFC000  }
0x6b: {  	[spmem:s1] =	stream.indirect.scatter.add.f32 [tilespmem:s20], [sflag:$0x3], $0x80, s2, s18, $0xb8;
	[tilespmem:$0x1E400] =	vst v63  }
0x6c: {  	_ =	swait.ge [sflag:s16], $0x4000  }
0x6d: {  	[sflag:s16] =	ssyncset.done $0x0  }
0x6e: {  	s22 =	simm.s32 $0x580;
	[sflag:s16] =	ssyncadd.s32 $0xFFFFC000  }
0x6f: {  	[tilespmem:s20], [sflag:$0x2] =	stream.indirect.gather [hbm4b:s4+s18], $0x80, s22, s18, $0xb8;
	[tilespmem:$0x1E400] =	vst v63  }
0x70: {  	_ =	swait.ge [sflag:s21], $0x4000  }
0x71: {  	[sflag:s21] =	ssyncset.done $0x0  }
0x72: {  	s2 =	simm.s32 $0x1900;
	[sflag:s21] =	ssyncadd.s32 $0xFFFFC000  }
0x73: {  	[spmem:s1] =	stream.indirect.scatter.add.f32 [tilespmem:s19], [sflag:$0x3], $0x80, s2, s18, $0xb8;
	[tilespmem:$0x1E400] =	vst v63  }
0x74: {  	_ =	swait.ge [sflag:s16], $0x4000  }
0x75: {  	[sflag:s16] =	ssyncset.done $0x0  }
0x76: {  	s22 =	simm.s32 $0x600;
	[sflag:s16] =	ssyncadd.s32 $0xFFFFC000  }
0x77: {  	[tilespmem:s19], [sflag:$0x1] =	stream.indirect.gather [hbm4b:s4+s18], $0x80, s22, s18, $0xb8;
	[tilespmem:$0x1E400] =	vst v63  }
0x78: {  	_ =	swait.ge [sflag:s23], $0x4000  }
0x79: {  	[sflag:s23] =	ssyncset.done $0x0  }
0x7a: {  	s2 =	simm.s32 $0x1980;
	[sflag:s23] =	ssyncadd.s32 $0xFFFFC000  }
0x7b: {  	[spmem:s1] =	stream.indirect.scatter.add.f32 [tilespmem:s20], [sflag:$0x3], $0x80, s2, s18, $0xb8;
	[tilespmem:$0x1E400] =	vst v63  }
0x7c: {  	_ =	swait.ge [sflag:s16], $0x4000  }
0x7d: {  	[sflag:s16] =	ssyncset.done $0x0  }
0x7e: {  	s22 =	simm.s32 $0x680;
	[sflag:s16] =	ssyncadd.s32 $0xFFFFC000  }
0x7f: {  	[tilespmem:s20], [sflag:$0x2] =	stream.indirect.gather [hbm4b:s4+s18], $0x80, s22, s18, $0xb8;
	[tilespmem:$0x1E400] =	vst v63  }
0x80: {  	_ =	swait.ge [sflag:s21], $0x4000  }
0x81: {  	[sflag:s21] =	ssyncset.done $0x0  }
0x82: {  	s2 =	simm.s32 $0x1A00;
	[sflag:s21] =	ssyncadd.s32 $0xFFFFC000  }
0x83: {  	[spmem:s1] =	stream.indirect.scatter.add.f32 [tilespmem:s19], [sflag:$0x3], $0x80, s2, s18, $0xb8;
	[tilespmem:$0x1E400] =	vst v63  }
0x84: {  	_ =	swait.ge [sflag:s16], $0x4000  }
0x85: {  	[sflag:s16] =	ssyncset.done $0x0  }
0x86: {  	s22 =	simm.s32 $0x700;
	[sflag:s16] =	ssyncadd.s32 $0xFFFFC000  }
0x87: {  	[tilespmem:s19], [sflag:$0x1] =	stream.indirect.gather [hbm4b:s4+s18], $0x80, s22, s18, $0xb8;
	[tilespmem:$0x1E400] =	vst v63  }
0x88: {  	_ =	swait.ge [sflag:s23], $0x4000  }
0x89: {  	[sflag:s23] =	ssyncset.done $0x0  }
0x8a: {  	s2 =	simm.s32 $0x1A80;
	[sflag:s23] =	ssyncadd.s32 $0xFFFFC000  }
0x8b: {  	[spmem:s1] =	stream.indirect.scatter.add.f32 [tilespmem:s20], [sflag:$0x3], $0x80, s2, s18, $0xb8;
	[tilespmem:$0x1E400] =	vst v63  }
0x8c: {  	_ =	swait.ge [sflag:s16], $0x4000  }
0x8d: {  	[sflag:s16] =	ssyncset.done $0x0  }
0x8e: {  	s22 =	simm.s32 $0x780;
	[sflag:s16] =	ssyncadd.s32 $0xFFFFC000  }
0x8f: {  	[tilespmem:s20], [sflag:$0x2] =	stream.indirect.gather [hbm4b:s4+s18], $0x80, s22, s18, $0xb8;
	[tilespmem:$0x1E400] =	vst v63  }
0x90: {  	_ =	swait.ge [sflag:s21], $0x4000  }
0x91: {  	[sflag:s21] =	ssyncset.done $0x0  }
0x92: {  	s2 =	simm.s32 $0x1B00;
	[sflag:s21] =	ssyncadd.s32 $0xFFFFC000  }
0x93: {  	[spmem:s1] =	stream.indirect.scatter.add.f32 [tilespmem:s19], [sflag:$0x3], $0x80, s2, s18, $0xb8;
	[tilespmem:$0x1E400] =	vst v63  }
0x94: {  	_ =	swait.ge [sflag:s16], $0x4000  }
0x95: {  	[sflag:s16] =	ssyncset.done $0x0  }
0x96: {  	s22 =	simm.s32 $0x800;
	[sflag:s16] =	ssyncadd.s32 $0xFFFFC000  }
0x97: {  	[tilespmem:s19], [sflag:$0x1] =	stream.indirect.gather [hbm4b:s4+s18], $0x80, s22, s18, $0xb8;
	[tilespmem:$0x1E400] =	vst v63  }
0x98: {  	_ =	swait.ge [sflag:s23], $0x4000  }
0x99: {  	[sflag:s23] =	ssyncset.done $0x0  }
0x9a: {  	s2 =	simm.s32 $0x1B80;
	[sflag:s23] =	ssyncadd.s32 $0xFFFFC000  }
0x9b: {  	[spmem:s1] =	stream.indirect.scatter.add.f32 [tilespmem:s20], [sflag:$0x3], $0x80, s2, s18, $0xb8;
	[tilespmem:$0x1E400] =	vst v63  }
0x9c: {  	_ =	swait.ge [sflag:s16], $0x4000  }
0x9d: {  	[sflag:s16] =	ssyncset.done $0x0  }
0x9e: {  	s22 =	simm.s32 $0x880;
	[sflag:s16] =	ssyncadd.s32 $0xFFFFC000  }
0x9f: {  	[tilespmem:s20], [sflag:$0x2] =	stream.indirect.gather [hbm4b:s4+s18], $0x80, s22, s18, $0xb8;
	[tilespmem:$0x1E400] =	vst v63  }
0xa0: {  	_ =	swait.ge [sflag:s21], $0x4000  }
0xa1: {  	[sflag:s21] =	ssyncset.done $0x0  }
0xa2: {  	[sflag:s21] =	ssyncadd.s32 $0xFFFFC000  }
0xa3: {  	[spmem:s1] =	stream.indirect.scatter.add.f32 [tilespmem:s19], [sflag:$0x3], $0x80, s24, s18, $0xb8;
	[tilespmem:$0x1E400] =	vst v63  }
0xa4: {  	_ =	swait.ge [sflag:s16], $0x4000  }
0xa5: {  	[sflag:s16] =	ssyncset.done $0x0  }
0xa6: {  	[sflag:s16] =	ssyncadd.s32 $0xFFFFC000  }
0xa7: {  	[tilespmem:s19], [sflag:$0x1] =	stream.indirect.gather [hbm4b:s4+s18], $0x80, s25, s18, $0xb8;
	[tilespmem:$0x1E400] =	vst v63  }
0xa8: {  	_ =	swait.ge [sflag:s23], $0x4000  }
0xa9: {  	[sflag:s23] =	ssyncset.done $0x0  }
0xaa: {  	[sflag:s23] =	ssyncadd.s32 $0xFFFFC000  }
0xab: {  	[spmem:s1] =	stream.indirect.scatter.add.f32 [tilespmem:s20], [sflag:$0x3], $0x80, s26, s18, $0xb8;
	[tilespmem:$0x1E400] =	vst v63  }
0xac: {  	_ =	swait.ge [sflag:s16], $0x4000  }
0xad: {  	[sflag:s16] =	ssyncset.done $0x0  }
0xae: {  	s0 =	simm.s32 $0x1D80;
	s2 =	simm.s32 $0x1D00;
	[sflag:s16] =	ssyncadd.s32 $0xFFFFC000  }
0xaf: {  	[tilespmem:s20], [sflag:$0x2] =	stream.indirect.gather [hbm4b:s4+s18], $0x80, s28, s18, $0xb8;
	[tilespmem:$0x1E400] =	vst v63  }
.LBB2_8:
0xb0: {  	_ =	swait.ge [sflag:s21], $0x4000  }
0xb1: {  	[sflag:s21] =	ssyncset.done $0x0  }
0xb2: {  	[sflag:s21] =	ssyncadd.s32 $0xFFFFC000  }
0xb3: {  	[spmem:s1] =	stream.indirect.scatter.add.f32 [tilespmem:s19], [sflag:$0x3], $0x80, s2, s18, $0xb8;
	[tilespmem:$0x1E400] =	vst v63  }
0xb4: {  	_ =	swait.ge [sflag:s16], $0x4000  }
0xb5: {  	[sflag:s16] =	ssyncset.done $0x0  }
0xb6: {  	[sflag:s16] =	ssyncadd.s32 $0xFFFFC000  }
0xb7: {  	_ =	swait.ge [sflag:s23], $0x4000  }
0xb8: {  	[sflag:s23] =	ssyncset.done $0x0  }
0xb9: {  	[sflag:s23] =	ssyncadd.s32 $0xFFFFC000  }
0xba: {  	[spmem:s1] =	stream.indirect.scatter.add.f32 [tilespmem:s20], [sflag:$0x3], $0x80, s0, s18, $0xb8;
	[tilespmem:$0x1E400] =	vst v63  }
0xbb: {  	_ =	swait.ge [sflag:s16], $0x4000  }
0xbc: {  	s31 =	sadd.s32 $0x1, s31;
	[sflag:s16] =	ssyncset.done $0x0  }
0xbd: {  	p1 =	sne.s32 s31, s14;
	[sflag:s16] =	ssyncadd.s32 $0xFFFFC000  }
.Ltmp1:
0xbe: {  	[bflag:$0x0] =	sbarrier.arrive $0xFFFF;
	(pc) =	sbr.rel @!p1 .LBB2_9-.Ltmp1, $4  }
0xbf: {  	[hbm:s13], [sflag:s6] =	dma.local [spmem:s15], $0x2780  }
0xc0: {  	_ =	swait.ge [sflag:s16], $0x2780  }
0xc1: {  	[sflag:s16] =	ssyncset.done $0x0  }
0xc2: {  	[sflag:s16] =	ssyncadd.s32 $0xFFFFD880  }
.LBB2_1:
0xc3: {  	[spmem:s15], [sflag:s6] =	dma.local [hbm:s5], $0x2780  }
.Ltmp2:
0xc4: {  	_ =	swait.ge [sflag:s16], $0x2780;
	(pc) =	sbr.rel @p0 .LBB2_7-.Ltmp2, $3  }
0xc5: {  	[sflag:s16] =	ssyncset.done $0x0  }
0xc6: {  	[sflag:s16] =	ssyncadd.s32 $0xFFFFD880  }
0xc7: {  	[bflag:$0x0] =	sbarrier.arrive $0xFFFF;
	_ =	sdelay $0x1  }
0xc8: {  	s0 =	simm.s32 $0x0  }
0xc9: {  	[tilespmem:s0], [sflag:$0x3] =	stream.linear.gather [hbm4b:s7+s0], $0x1400, $0x38;
	[tilespmem:$0x1E400] =	vst v63  }
0xca: {  	_ =	swait.ge [sflag:s16], $0x1400  }
0xcb: {  	[sflag:s16] =	ssyncset.done $0x0  }
0xcc: {  	[sflag:s16] =	ssyncadd.s32 $0xFFFFEC00  }
0xcd: {  	[tilespmem:s17], [sflag:$0x3] =	stream.linear.gather [hbm4b:s8+s0], $0x1400, $0x38;
	[tilespmem:$0x1E400] =	vst v63  }
0xce: {  	_ =	swait.ge [sflag:s16], $0x1400  }
0xcf: {  	[sflag:s16] =	ssyncset.done $0x0  }
0xd0: {  	[sflag:s16] =	ssyncadd.s32 $0xFFFFEC00  }
0xd1: {  	[tilespmem:s19], [sflag:$0x1] =	stream.indirect.gather [hbm4b:s4+s18], $0x80, s0, s18, $0xb8;
	[tilespmem:$0x1E400] =	vst v63  }
0xd2: {  	_ = 	snop  }
0xd3: {  	[tilespmem:s20], [sflag:$0x2] =	stream.indirect.gather [hbm4b:s4+s18], $0x80, s18, s18, $0xb8;
	[tilespmem:$0x1E400] =	vst v63  }
0xd4: {  	_ =	swait.ge [sflag:s21], $0x4000  }
0xd5: {  	[sflag:s21] =	ssyncset.done $0x0  }
0xd6: {  	s22 =	simm.s32 $0x1400;
	[sflag:s21] =	ssyncadd.s32 $0xFFFFC000  }
0xd7: {  	[spmem:s1] =	stream.indirect.scatter.add.f32 [tilespmem:s19], [sflag:$0x3], $0x80, s22, s18, $0xb8;
	[tilespmem:$0x1E400] =	vst v63  }
0xd8: {  	_ =	swait.ge [sflag:s16], $0x4000  }
0xd9: {  	[sflag:s16] =	ssyncset.done $0x0  }
0xda: {  	s2 =	simm.s32 $0x100;
	[sflag:s16] =	ssyncadd.s32 $0xFFFFC000  }
0xdb: {  	[tilespmem:s19], [sflag:$0x1] =	stream.indirect.gather [hbm4b:s4+s18], $0x80, s2, s18, $0xb8;
	[tilespmem:$0x1E400] =	vst v63  }
0xdc: {  	_ =	swait.ge [sflag:s23], $0x4000  }
0xdd: {  	[sflag:s23] =	ssyncset.done $0x0  }
0xde: {  	s22 =	simm.s32 $0x1480;
	[sflag:s23] =	ssyncadd.s32 $0xFFFFC000  }
0xdf: {  	[spmem:s1] =	stream.indirect.scatter.add.f32 [tilespmem:s20], [sflag:$0x3], $0x80, s22, s18, $0xb8;
	[tilespmem:$0x1E400] =	vst v63  }
0xe0: {  	_ =	swait.ge [sflag:s16], $0x4000  }
0xe1: {  	[sflag:s16] =	ssyncset.done $0x0  }
0xe2: {  	s0 =	simm.s32 $0x400;
	s2 =	simm.s32 $0x180;
	[sflag:s16] =	ssyncadd.s32 $0xFFFFC000  }
.LBB2_3:
0xe3: {  	[tilespmem:s20], [sflag:$0x2] =	stream.indirect.gather [hbm4b:s4+s18], $0x80, s2, s18, $0xb8;
	[tilespmem:$0x1E400] =	vst v63  }
0xe4: {  	s2 =	smov.u32 s0  }
0xe5: {  	p1 =	sne.s32 s0, $0x4800;
	s0 =	sadd.s32 $0x400, s0;
	_ =	swait.ge [sflag:s21], $0x4000  }
0xe6: {  	s2 =	sshra.s32 s2, $0x2;
	[sflag:s21] =	ssyncset.done $0x0  }
0xe7: {  	s22 =	sadd.s32 $0x1400, s2;
	[sflag:s21] =	ssyncadd.s32 $0xFFFFC000  }
0xe8: {  	[spmem:s1] =	stream.indirect.scatter.add.f32 [tilespmem:s19], [sflag:$0x3], $0x80, s22, s18, $0xb8;
	[tilespmem:$0x1E400] =	vst v63  }
0xe9: {  	_ =	swait.ge [sflag:s16], $0x4000  }
0xea: {  	[sflag:s16] =	ssyncset.done $0x0  }
0xeb: {  	s22 =	sadd.s32 $0x100, s2;
	[sflag:s16] =	ssyncadd.s32 $0xFFFFC000  }
0xec: {  	[tilespmem:s19], [sflag:$0x1] =	stream.indirect.gather [hbm4b:s4+s18], $0x80, s22, s18, $0xb8;
	[tilespmem:$0x1E400] =	vst v63  }
0xed: {  	_ =	swait.ge [sflag:s23], $0x4000  }
0xee: {  	[sflag:s23] =	ssyncset.done $0x0  }
.Ltmp3:
0xef: {  	s22 =	sadd.s32 $0x1480, s2;
	[sflag:s23] =	ssyncadd.s32 $0xFFFFC000;
	(pc) =	sbr.rel @p1 .LBB2_3-.Ltmp3, $4  }
0xf0: {  	[spmem:s1] =	stream.indirect.scatter.add.f32 [tilespmem:s20], [sflag:$0x3], $0x80, s22, s18, $0xb8;
	[tilespmem:$0x1E400] =	vst v63  }
0xf1: {  	_ =	swait.ge [sflag:s16], $0x4000  }
0xf2: {  	[sflag:s16] =	ssyncset.done $0x0  }
0xf3: {  	s2 =	sadd.s32 $0x180, s2;
	[sflag:s16] =	ssyncadd.s32 $0xFFFFC000  }
0xf4: {  	[tilespmem:s20], [sflag:$0x2] =	stream.indirect.gather [hbm4b:s4+s18], $0x80, s2, s18, $0xb8;
	[tilespmem:$0x1E400] =	vst v63  }
0xf5: {  	_ =	swait.ge [sflag:s21], $0x4000  }
0xf6: {  	[sflag:s21] =	ssyncset.done $0x0  }
0xf7: {  	[sflag:s21] =	ssyncadd.s32 $0xFFFFC000  }
0xf8: {  	[spmem:s1] =	stream.indirect.scatter.add.f32 [tilespmem:s19], [sflag:$0x3], $0x80, s29, s18, $0xb8;
	[tilespmem:$0x1E400] =	vst v63  }
0xf9: {  	_ =	swait.ge [sflag:s16], $0x4000  }
0xfa: {  	[sflag:s16] =	ssyncset.done $0x0  }
0xfb: {  	[sflag:s16] =	ssyncadd.s32 $0xFFFFC000  }
0xfc: {  	_ =	swait.ge [sflag:s23], $0x4000  }
0xfd: {  	[sflag:s23] =	ssyncset.done $0x0  }
0xfe: {  	[sflag:s23] =	ssyncadd.s32 $0xFFFFC000  }
0xff: {  	[spmem:s1] =	stream.indirect.scatter.add.f32 [tilespmem:s20], [sflag:$0x3], $0x80, s30, s18, $0xb8;
	[tilespmem:$0x1E400] =	vst v63  }
0x100: {  	_ =	swait.ge [sflag:s16], $0x4000  }
0x101: {  	[sflag:s16] =	ssyncset.done $0x0  }
0x102: {  	s0 =	simm.s32 $0x0;
	[sflag:s16] =	ssyncadd.s32 $0xFFFFC000  }
0x103: {  	[tilespmem:s0], [sflag:$0x3] =	stream.linear.gather [hbm4b:s9+s0], $0x1400, $0x38;
	[tilespmem:$0x1E400] =	vst v63  }
0x104: {  	_ =	swait.ge [sflag:s16], $0x1400  }
0x105: {  	[sflag:s16] =	ssyncset.done $0x0  }
0x106: {  	[sflag:s16] =	ssyncadd.s32 $0xFFFFEC00  }
0x107: {  	[tilespmem:s17], [sflag:$0x3] =	stream.linear.gather [hbm4b:s10+s0], $0x1400, $0x38;
	[tilespmem:$0x1E400] =	vst v63  }
0x108: {  	_ =	swait.ge [sflag:s16], $0x1400  }
0x109: {  	[sflag:s16] =	ssyncset.done $0x0  }
0x10a: {  	[sflag:s16] =	ssyncadd.s32 $0xFFFFEC00  }
0x10b: {  	[tilespmem:s19], [sflag:$0x1] =	stream.indirect.gather [hbm4b:s4+s18], $0x80, s0, s18, $0xb8;
	[tilespmem:$0x1E400] =	vst v63  }
0x10c: {  	_ = 	snop  }
0x10d: {  	[tilespmem:s20], [sflag:$0x2] =	stream.indirect.gather [hbm4b:s4+s18], $0x80, s18, s18, $0xb8;
	[tilespmem:$0x1E400] =	vst v63  }
0x10e: {  	_ =	swait.ge [sflag:s21], $0x4000  }
0x10f: {  	[sflag:s21] =	ssyncset.done $0x0  }
0x110: {  	s22 =	simm.s32 $0x1400;
	[sflag:s21] =	ssyncadd.s32 $0xFFFFC000  }
0x111: {  	[spmem:s1] =	stream.indirect.scatter.add.f32 [tilespmem:s19], [sflag:$0x3], $0x80, s22, s18, $0xb8;
	[tilespmem:$0x1E400] =	vst v63  }
0x112: {  	_ =	swait.ge [sflag:s16], $0x4000  }
0x113: {  	[sflag:s16] =	ssyncset.done $0x0  }
0x114: {  	s2 =	simm.s32 $0x100;
	[sflag:s16] =	ssyncadd.s32 $0xFFFFC000  }
0x115: {  	[tilespmem:s19], [sflag:$0x1] =	stream.indirect.gather [hbm4b:s4+s18], $0x80, s2, s18, $0xb8;
	[tilespmem:$0x1E400] =	vst v63  }
0x116: {  	_ =	swait.ge [sflag:s23], $0x4000  }
0x117: {  	p1 =	por $0x0, $0x0;
	[sflag:s23] =	ssyncset.done $0x0  }
.Ltmp4:
0x118: {  	s22 =	simm.s32 $0x1480;
	[sflag:s23] =	ssyncadd.s32 $0xFFFFC000;
	(pc) =	sbr.rel @p1 .LBB2_6-.Ltmp4, $4  }
0x119: {  	[spmem:s1] =	stream.indirect.scatter.add.f32 [tilespmem:s20], [sflag:$0x3], $0x80, s22, s18, $0xb8;
	[tilespmem:$0x1E400] =	vst v63  }
0x11a: {  	_ =	swait.ge [sflag:s16], $0x4000  }
0x11b: {  	[sflag:s16] =	ssyncset.done $0x0  }
0x11c: {  	s0 =	simm.s32 $0x400;
	s2 =	simm.s32 $0x180;
	[sflag:s16] =	ssyncadd.s32 $0xFFFFC000  }
.LBB2_5:
0x11d: {  	[tilespmem:s20], [sflag:$0x2] =	stream.indirect.gather [hbm4b:s4+s18], $0x80, s2, s18, $0xb8;
	[tilespmem:$0x1E400] =	vst v63  }
0x11e: {  	s2 =	smov.u32 s0  }
0x11f: {  	p1 =	seq.s32 s0, $0x4800;
	s0 =	sadd.s32 $0x400, s0;
	_ =	swait.ge [sflag:s21], $0x4000  }
0x120: {  	s2 =	sshra.s32 s2, $0x2;
	[sflag:s21] =	ssyncset.done $0x0  }
0x121: {  	s22 =	sadd.s32 $0x1400, s2;
	[sflag:s21] =	ssyncadd.s32 $0xFFFFC000  }
0x122: {  	[spmem:s1] =	stream.indirect.scatter.add.f32 [tilespmem:s19], [sflag:$0x3], $0x80, s22, s18, $0xb8;
	[tilespmem:$0x1E400] =	vst v63  }
0x123: {  	_ =	swait.ge [sflag:s16], $0x4000  }
0x124: {  	[sflag:s16] =	ssyncset.done $0x0  }
0x125: {  	s22 =	sadd.s32 $0x100, s2;
	[sflag:s16] =	ssyncadd.s32 $0xFFFFC000  }
0x126: {  	[tilespmem:s19], [sflag:$0x1] =	stream.indirect.gather [hbm4b:s4+s18], $0x80, s22, s18, $0xb8;
	[tilespmem:$0x1E400] =	vst v63  }
0x127: {  	_ =	swait.ge [sflag:s23], $0x4000  }
0x128: {  	[sflag:s23] =	ssyncset.done $0x0  }
.Ltmp5:
0x129: {  	s22 =	sadd.s32 $0x1480, s2;
	[sflag:s23] =	ssyncadd.s32 $0xFFFFC000;
	(pc) =	sbr.rel @!p1 .LBB2_5-.Ltmp5, $4  }
0x12a: {  	[spmem:s1] =	stream.indirect.scatter.add.f32 [tilespmem:s20], [sflag:$0x3], $0x80, s22, s18, $0xb8;
	[tilespmem:$0x1E400] =	vst v63  }
0x12b: {  	_ =	swait.ge [sflag:s16], $0x4000  }
0x12c: {  	[sflag:s16] =	ssyncset.done $0x0  }
0x12d: {  	s2 =	sadd.s32 $0x180, s2;
	[sflag:s16] =	ssyncadd.s32 $0xFFFFC000  }
.LBB2_6:
.Ltmp6:
0x12e: {  	(pc) =	sbr.rel .LBB2_8-.Ltmp6, $3  }
0x12f: {  	_ =	sdelay $0x1  }
0x130: {  	[tilespmem:s20], [sflag:$0x2] =	stream.indirect.gather [hbm4b:s4+s18], $0x80, s2, s18, $0xb8;
	[tilespmem:$0x1E400] =	vst v63  }
0x131: {  	s0 =	simm.s32 $0x2780;
	s2 =	simm.s32 $0x2700  }
.LBB2_9:
0x132: {  	_ =	sfence.sel $0x180000  }
0x133: {  	[bflag:$0x0] =	sbarrier.arrive $0xFFFF  }
0x134: {  	_ =	strace $0x9000004A  }
0x135: {  	s0 =	stileid.u32;
	[bflag:$0x2] =	sbarrier.arrive $0xFFFF  }
0x136: {  	p0 =	sne.s32 s0, $0x0;
	s0 =	rddreg [dreg:$0x3]  }
0x137: {  	s0 =	sadd.s32 @!p0 $0x100000, s0  }
0x138: {  	[sflag:s0] =	ssyncadd.tile.s32 @!p0 $0x1;
	_ =	shalt  }
.Lfunc_end2:
_tile_overlayer_lowered:
.L_overlay_start_2:
0x139: {  	(tag) =	ssettag $0x2  }
0x13a: {  	s0 =	rddreg [dreg:$0x0];
	s2 =	stileid.u32  }
0x13b: {  	s1 =	rddreg [dreg:$0x1];
	p0 =	sne.s32 s2, $0x0  }
0x13c: {  	s3 =	rddreg [dreg:$0x2];
	[bflag:$0x3] =	sbarrier.arrive $0xFFFF;
	s2 =	simm.s32 @!p0 $0x1C03  }
0x13d: {  	[timem:s3], [sflag:s2] =	dma.local @!p0 [hbm:s0], s1  }
0x13e: {  	s0 =	simm.s32 @!p0 $0x3  }
0x13f: {  	_ =	swait.ge @!p0 [sflag:s0], s1  }
0x140: {  	s1 =	ssub.s32 @!p0 $0x0, s1;
	[sflag:s0] =	ssyncset.done @!p0 $0x0  }
0x141: {  	[sflag:s0] =	ssyncadd.s32 @!p0 s1  }
0x142: {  	[bflag:$0x3] =	sbarrier.arrive $0xFFFF  }
0x143: {  	_ =	shalt  }

// kernel: kernel.7.cloned.1.call-start
scs
__scs_entry_jumppad:
0x0: {  	(pc) =	sbr.rel $0x88, $3  }
0x1: {  	(tag) =	ssettag $0x0;
	lr =	simm.s32 $0x1  }
0x2: {  	[smem:$0x3F9B] =	sst lr;
	_ =	strace $0xD0000000  }
0x3: {  	_ = 	snop  }
0x4: {  	_ = 	snop  }
0x5: {  	_ = 	snop  }
0x6: {  	_ = 	snop  }
0x7: {  	_ = 	snop  }
__scs_overlays_trampoline_lowered:
0x8: {  	[smem:$0x3FAA] =	sst s0  }
0x9: {  	[smem:$0x3FAB] =	sst s1  }
0xa: {  	[smem:$0x3FAC] =	sst s2  }
0xb: {  	[smem:$0x3FAD] =	sst s3  }
0xc: {  	[smem:$0x3FAE] =	sst s4  }
0xd: {  	[smem:$0x3FAF] =	sst s5  }
0xe: {  	[smem:$0x3FB0] =	sst s6  }
0xf: {  	[smem:$0x3FB1] =	sst s7  }
0x10: {  	[smem:$0x3FB2] =	sst s8  }
0x11: {  	[smem:$0x3FB3] =	sst s9;
	s0 =	simm.s32 @!p0 $0x0  }
0x12: {  	s1 =	sld [smem:$0x3F99];
	s0 =	simm.s32 @p0 $0x1  }
0x13: {  	[smem:$0x3FB4] =	sst s0;
	s0 =	simm.s32 @!p1 $0x0  }
0x14: {  	s2 =	sld [smem:$0x3F98];
	s0 =	simm.s32 @p1 $0x1  }
0x15: {  	[smem:$0x3FB5] =	sst s0;
	s0 =	simm.s32 @!p2 $0x0  }
0x16: {  	s3 =	sld [smem:$0x3FDB];
	s0 =	simm.s32 @p2 $0x1  }
0x17: {  	s4 =	simm.s32 $0x1BF5;
	[smem:$0x3FB7] =	sst s0  }
0x18: {  	s0 =	sld [smem:$0x3F9A];
	_ =	swait.ge [sflag:s4], $0x0  }
0x19: {  	s7 =	sld [smem:$0x3F9B]  }
0x1a: {  	s8 =	sadd.s32 $0xFFFFE003, lr  }
0x1b: {  	s9 =	sadd.s32 $0xFFFFFEF7, lr;
	s5 =	simm.s32 $0xFFFFFFFF;
	p2 =	slt.u32 s8, $0xFFFFF086  }
0x1c: {  	p1 =	slt.u32 s9, $0xF7A;
	s5 =	simm.s32 @!p2 $0x0  }
0x1d: {  	s5 =	simm.s32 @p1 $0x1;
	p0 =	seq.s32 s7, s2  }
0x1e: {  	s7 =	smul.u32 @!p0 $0xF7A, s2;
	p2 =	seq.s32 @!p0 s5, $0x0  }
0x1f: {  	s9 =	smul.u32 $0xF7A, s1;
	s8 =	simm.s32 @!p0 $0x1BF5;
	p2 =	por !p2, p0  }
0x20: {  	[sflag:s8] =	ssyncset.s32 @!p0 $0xFFFFF086;
	s6 =	sadd.s32 @!p0 s3, s7;
	s7 =	simm.s32 @!p0 $0x108  }
0x21: {  	s3 =	sadd.s32 s3, s9;
	s6 =	sadd.s32 @!p0 $0x88, s6;
	s7 =	simm.s32 @p2 $0x1082  }
0x22: {  	[simem:s7], [sflag:s8] =	dma.local @!p0 [hbm:s6], $0xF7A  }
0x23: {  	s9 =	sor.u32 $0xD0000000, s2;
	s6 =	simm.s32 $0x108;
	_ =	swait.ge @!p0 [sflag:s8], $0x0  }
0x24: {  	s3 =	sadd.s32 $0x88, s3;
	s6 =	simm.s32 @!p1 $0x1082;
	[sflag:s4] =	ssyncset.s32 $0xFFFFF086  }
0x25: {  	[simem:s6], [sflag:s4] =	dma.local [hbm:s3], $0xF7A  }
0x26: {  	[smem:$0x3F9B] =	sst s1;
	(tag) =	ssettag s2;
	_ =	strace s9  }
0x27: {  	s1 =	sld [smem:$0x3FAB]  }
0x28: {  	s2 =	sld [smem:$0x3FAC]  }
0x29: {  	s4 =	sld [smem:$0x3FAE]  }
0x2a: {  	p0 =	seq.s32 s5, $0x0;
	s5 =	sld [smem:$0x3FAF]  }
0x2b: {  	s6 =	sld [smem:$0x3FB0]  }
0x2c: {  	s7 =	sld [smem:$0x3FB1]  }
0x2d: {  	s3 =	simm.s32 $0x108;
	s8 =	sld [smem:$0x3FB2]  }
0x2e: {  	s3 =	simm.s32 @!p0 $0x1082;
	s9 =	sld [smem:$0x3FB3]  }
0x2f: {  	lr =	sadd.s32 s0, s3;
	s0 =	sld [smem:$0x3FAA]  }
0x30: {  	s3 =	sld [smem:$0x3FAD]  }
0x31: {  	[smem:$0x3FB6] =	sst s10  }
0x32: {  	s10 =	sld [smem:$0x3FB4];
	_ =	sdelay $0x3  }
0x33: {  	p0 =	seq.s32 s10, $0x1;
	s10 =	sld [smem:$0x3FB6];
	_ =	sdelay $0x3  }
0x34: {  	[smem:$0x3FB6] =	sst s10  }
0x35: {  	s10 =	sld [smem:$0x3FB5];
	_ =	sdelay $0x3  }
0x36: {  	p1 =	seq.s32 s10, $0x1;
	s10 =	sld [smem:$0x3FB6];
	_ =	sdelay $0x3  }
0x37: {  	[smem:$0x3FB6] =	sst s10  }
0x38: {  	s10 =	sld [smem:$0x3FB7]  }
0x39: {  	_ = 	snop;
	(pc) =	sbr.ind lr, $3  }
0x3a: {  	_ = 	snop  }
0x3b: {  	_ = 	snop  }
0x3c: {  	p2 =	seq.s32 s10, $0x1;
	s10 =	sld [smem:$0x3FB6]  }
0x3d: {  	_ =	shalt  }
0x3e: {  	_ =	shalt  }
0x3f: {  	_ =	shalt  }
0x40: {  	_ =	shalt  }
0x41: {  	_ =	shalt  }
0x42: {  	_ =	shalt  }
0x43: {  	_ =	shalt  }
0x44: {  	_ =	shalt  }
0x45: {  	_ =	shalt  }
0x46: {  	_ =	shalt  }
0x47: {  	_ =	shalt  }
0x48: {  	_ =	shalt  }
0x49: {  	_ =	shalt  }
0x4a: {  	_ =	shalt  }
0x4b: {  	_ =	shalt  }
0x4c: {  	_ =	shalt  }
0x4d: {  	_ =	shalt  }
0x4e: {  	_ =	shalt  }
0x4f: {  	_ =	shalt  }
0x50: {  	_ =	shalt  }
0x51: {  	_ =	shalt  }
0x52: {  	_ =	shalt  }
0x53: {  	_ =	shalt  }
0x54: {  	_ =	shalt  }
0x55: {  	_ =	shalt  }
0x56: {  	_ =	shalt  }
0x57: {  	_ =	shalt  }
0x58: {  	_ =	shalt  }
0x59: {  	_ =	shalt  }
0x5a: {  	_ =	shalt  }
0x5b: {  	_ =	shalt  }
0x5c: {  	_ =	shalt  }
0x5d: {  	_ =	shalt  }
0x5e: {  	_ =	shalt  }
0x5f: {  	_ =	shalt  }
0x60: {  	_ =	shalt  }
0x61: {  	_ =	shalt  }
0x62: {  	_ =	shalt  }
0x63: {  	_ =	shalt  }
0x64: {  	_ =	shalt  }
0x65: {  	_ =	shalt  }
0x66: {  	_ =	shalt  }
0x67: {  	_ =	shalt  }
0x68: {  	_ =	shalt  }
0x69: {  	_ =	shalt  }
0x6a: {  	_ =	shalt  }
0x6b: {  	_ =	shalt  }
0x6c: {  	_ =	shalt  }
0x6d: {  	_ =	shalt  }
0x6e: {  	_ =	shalt  }
0x6f: {  	_ =	shalt  }
0x70: {  	_ =	shalt  }
0x71: {  	_ =	shalt  }
0x72: {  	_ =	shalt  }
0x73: {  	_ =	shalt  }
0x74: {  	_ =	shalt  }
0x75: {  	_ =	shalt  }
0x76: {  	_ =	shalt  }
0x77: {  	_ =	shalt  }
0x78: {  	_ =	shalt  }
0x79: {  	_ =	shalt  }
0x7a: {  	_ =	shalt  }
0x7b: {  	_ =	shalt  }
0x7c: {  	_ =	shalt  }
0x7d: {  	_ =	shalt  }
0x7e: {  	_ =	shalt  }
0x7f: {  	_ =	shalt  }
0x80: {  	_ =	shalt  }
0x81: {  	_ =	shalt  }
0x82: {  	_ =	shalt  }
0x83: {  	_ =	shalt  }
0x84: {  	_ =	shalt  }
0x85: {  	_ =	shalt  }
0x86: {  	_ =	shalt  }
0x87: {  	_ =	shalt  }
.Lfunc_end0:
.L_simem_size_0:
called_computation_lowered:
.L_overlay_start_0:
0x88: {  	s2 =	sld [smem:$0x3FD9]  }
0x89: {  	s3 =	sld [smem:$0x3FFE];
	_ =	sdelay $0x1  }
0x8a: {  	s1 =	srdreg.scid  }
0x8b: {  	s0 =	sand.u32 $0x1, s1  }
0x8c: {  	s17 =	sshll.u32 s0, $0xA;
	s2 =	sadd.s32 s3, s2  }
0x8d: {  	s2 =	sadd.s32 s2, s17  }
0x8e: {  	[smem:$0x3FC2] =	sst s2  }
0x8f: {  	_ = 	snop  }
0x90: {  	s2 =	sld [smem:$0x3FD0];
	(tm) =	ssettm $0x1  }
0x91: {  	s18 =	sld [smem:$0x3FFB];
	_ =	sdelay $0x3  }
0x92: {  	_ =	strace s18  }
0x93: {  	s3 =	sld [smem:$0x3FFC];
	_ =	sdelay $0x3  }
0x94: {  	_ =	strace s3  }
0x95: {  	s3 =	sld [smem:$0x3FFD];
	_ =	sdelay $0x3  }
0x96: {  	_ =	strace s3  }
0x97: {  	_ =	strace $0x8FFFFFFF  }
0x98: {  	s19 =	sld [smem:$0x3FDB];
	_ =	sdelay $0x1  }
0x99: {  	s4 =	simm.s32 $_scs_section_size  }
0x9a: {  	s5 =	simm.s32 $_size__tile_overlayer_lowered;
	s6 =	simm.s32 $_tile_overlayer_lowered  }
0x9b: {  	s22 =	simm.s32 $0x1BFF;
	s21 =	sshll.u32 s6, $0x1;
	s3 =	sadd.s32 s4, s19  }
0x9c: {  	s7 =	simm.s32 $0x0;
	s20 =	sshll.u32 s5, $0x1;
	s5 =	sadd.s32 s21, s3  }
0x9d: {  	[timem:s7], [sflag:s22] =	dma.local [hbm:s5], s20  }
0x9e: {  	_ =	swait.ge [sflag:s22], s20  }
0x9f: {  	s4 =	ssub.s32 $0x0, s20;
	[sflag:s22] =	ssyncset.done $0x0  }
0xa0: {  	[sflag:s22] =	ssyncadd.s32 s4;
	_ =	sdelay $0x1  }
0xa1: {  	s23 =	simm.s32 $0x1B8B  }
0xa2: {  	_ =	swait.ge [sflag:s23], $0x1  }
0xa3: {  	[sflag:s23] =	ssyncset.done $0x0  }
0xa4: {  	s25 =	simm.s32 $0x1B8E;
	s24 =	sld [smem:$0x3FFE];
	[sflag:s23] =	ssyncadd.s32 $0xFFFFFFFF  }
0xa5: {  	s26 =	simm.s32 $execute0_lowered;
	[smem:$0x3FD2] =	sst s25  }
0xa6: {  	s5 =	sshll.u32 s26, $0x1;
	_ =	strace $0x80000046;
	[dreg:$0x1] =	wrdreg $0xFFFFFFFF  }
0xa7: {  	s28 =	simm.s32 $_size_execute0_lowered;
	s3 =	sadd.s32 s3, s5;
	[dreg:$0x0] =	wrdreg $0x0  }
0xa8: {  	s5 =	sshll.u32 s28, $0x1;
	[dreg:$0x2] =	wrdreg s3  }
0xa9: {  	[dreg:$0x3] =	wrdreg s5  }
0xaa: {  	[dreg:$0x4] =	wrdreg $0xC0  }
0xab: {  	_ =	task [dreg:s7], $0x5FFFF  }
0xac: {  	[dreg:$0x1] =	wrdreg $0xFFFFFFFF  }
0xad: {  	[dreg:$0x0] =	wrdreg $0x60  }
0xae: {  	[dreg:$0x2] =	wrdreg s2  }
0xaf: {  	[dreg:$0x3] =	wrdreg s24  }
0xb0: {  	[dreg:$0x4] =	wrdreg $0x90000  }
0xb1: {  	[dreg:$0x5] =	wrdreg $0x9  }
0xb2: {  	_ =	task.clear_ibuf [dreg:s7], $0x6FFFF;
	_ =	strace $0x90000046  }
0xb3: {  	s29 =	simm.s32 $0x9;
	_ =	strace $0x80000048  }
0xb4: {  	_ =	swait.ge [sflag:s29], $0x1  }
0xb5: {  	[sflag:s29] =	ssyncadd.s32 $0xFFFFFFFF  }
0xb6: {  	_ =	strace $0x90000048  }
0xb7: {  	_ =	sfence  }
0xb8: {  	s30 =	sld [smem:$0x0];
	_ =	sdelay $0x2  }
0xb9: {  	s31 =	sshll.u32 s1, $0xD;
	s1 =	sshrl.u32 s1, $0x2  }
0xba: {  	s3 =	sand.u32 $0x4000, s31;
	s1 =	sadd.s32 s1, s30  }
0xbb: {  	s0 =	sor.u32 s3, s0;
	s1 =	sshll.u32 s1, $0x11  }
0xbc: {  	s0 =	sor.u32 s1, s0  }
0xbd: {  	s0 =	sadd.s32 $0x8F2B, s0  }
0xbe: {  	[sflag:s0] =	ssyncadd.remote.s32 $0x1  }
0xbf: {  	_ =	sfence.sel $0xFFFF  }
0xc0: {  	[dreg:$0x0] =	wrdreg $0xFFFFFFFF;
	(pc) =	sbr.abs _section_cstart, $3  }
0xc1: {  	[dreg:$0x1] =	wrdreg $0xFFFFFFFF  }
0xc2: {  	_ =	task.clear_ibuf [dreg:s7], $0x2FFFF;
	_ =	strace $0x9FFFFFFF  }
0xc3: {  	(tm) =	ssettm $0x7FFFFFFF  }
tec
execute0_lowered:
.L_overlay_start_1:
0x0: {  	(tag) =	ssettag $0x1  }
0x1: {  	s6 =	rddreg [dreg:$0x0]  }
0x2: {  	s7 =	rddreg [dreg:$0x1]  }
0x3: {  	s1 =	rddreg [dreg:$0x2];
	s2 =	srdreg.scid  }
0x4: {  	s0 =	rddreg [dreg:$0x3];
	s5 =	sand.u32 $0x1, s2  }
0x5: {  	s3 =	simm.s32 $0x0;
	s2 =	stileid.u32;
	s8 =	smul.u32 $0x13C000, s5  }
0x6: {  	s14 =	simm.s32 $0x80;
	s15 =	simm.s32 $0x1;
	s9 =	smul.u32 $0x13C00, s2  }
0x7: {  	s16 =	simm.s32 $0x0;
	[smem:$0x7FF] =	sst s3;
	s26 =	smul.u32 $0x4E400, s5  }
0x8: {  	s4 =	sadd.s32 $0x2000, s7;
	_ =	strace $0x80000047;
	s11 =	smul.u32 $0x5000, s2  }
0x9: {  	s10 =	ssub.s32 $0x2, s5;
	s5 =	sadd.s32 $0x2800, s7;
	s12 =	smul.u32 $0x4F000, s2  }
0xa: {  	p0 =	seq.s32 s2, $0xF;
	s31 =	sshll.u32 s2, $0x6;
	s28 =	sshrl.u32 s10, $0x1  }
0xb: {  	s8 =	sadd.s32 s9, s8;
	s11 =	sadd.s32 s11, s26;
	s9 =	sshrl.u32 s26, $0x3  }
0xc: {  	s10 =	ssub.s32 s10, s28;
	s30 =	sshrl.u32 s12, $0x2;
	s12 =	sor.u32 $0x1C02, s31  }
0xd: {  	s8 =	sshrl.u32 s8, $0x3;
	s29 =	sshrl.u32 s11, $0x3;
	s9 =	sadd.s32 s6, s9  }
0xe: {  	s13 =	sadd.s32 s30, s1;
	s11 =	simm.s32 $0x2;
	s8 =	sadd.s32 s8, s7  }
0xf: {  	s6 =	sadd.s32 s6, s29;
	s7 =	sadd.s32 $0x9600, s9;
	s9 =	smax.u32 s10, $0x1  }
0x10: {  	s10 =	simm.s32 $0x5000;
	s13 =	sshrl.u32 s13, $0x3;
	s8 =	sadd.s32 $0x5000, s8  }
.LBB2_1:
0x11: {  	[tilespmem:s10], [sflag:$0x2] =	stream.linear.gather [hbm4b:s4+s3], $0x4000, $0x38;
	[tilespmem:$0x1CC00] =	vst v63  }
0x12: {  	_ =	swait.ge [sflag:s11], $0x4000  }
0x13: {  	[sflag:s11] =	ssyncset.done $0x0  }
0x14: {  	s17 =	simm.s32 @p0 $0x0;
	[sflag:s11] =	ssyncadd.s32 $0xFFFFC000  }
0x15: {  	[tilespmem:s17], [sflag:$0x2] =	stream.linear.gather @p0 [hbm4b:s7+s17], $0x3200, $0x38;
	[tilespmem:$0x1CC00] =	vst v63  }
0x16: {  	s17 =	simm.s32 @p0 $0x2  }
0x17: {  	_ =	swait.ge @p0 [sflag:s17], $0x3200  }
0x18: {  	[sflag:s17] =	ssyncset.done @p0 $0x0  }
0x19: {  	[sflag:s17] =	ssyncadd.s32 @p0 $0xFFFFCE00;
	s17 =	simm.s32 @!p0 $0x0  }
0x1a: {  	[tilespmem:s17], [sflag:$0x2] =	stream.linear.gather @!p0 [hbm4b:s6+s17], $0x5000, $0x38;
	[tilespmem:$0x1CC00] =	vst v63  }
0x1b: {  	s17 =	simm.s32 @!p0 $0x2  }
0x1c: {  	_ =	swait.ge @!p0 [sflag:s17], $0x5000  }
0x1d: {  	[sflag:s17] =	ssyncset.done @!p0 $0x0  }
0x1e: {  	[sflag:s17] =	ssyncadd.s32 @!p0 $0xFFFFB000;
	s17 =	simm.s32 @!p0 $0xA0  }
0x1f: {  	[spmem:s13], [sflag:s12] =	dma.local [hbm:s5], $0x2780  }
0x20: {  	s17 =	simm.s32 @p0 $0x64  }
0x21: {  	p1 =	sne.s32 s17, $0x1  }
.Ltmp0:
0x22: {  	_ =	swait.ge [sflag:s11], $0x2780;
	(pc) =	sbr.rel @!p1 .LBB2_3-.Ltmp0, $4  }
0x23: {  	[sflag:s11] =	ssyncset.done $0x0  }
0x24: {  	[sflag:s11] =	ssyncadd.s32 $0xFFFFD880  }
0x25: {  	s19 =	simm.s32 $0x0;
	s18 =	sadd.s32 $0xFFFFFFFF, s17;
	[bflag:$0x0] =	sbarrier.arrive $0xFFFF  }
0x26: {  	[spmem:s1] =	stream.indirect.scatter.add.f32 [tilespmem:s10], [sflag:$0x1], $0x80, s3, s14, $0xb8;
	[tilespmem:$0x1CC00] =	vst v63  }
.LBB2_2:
0x27: {  	p2 =	sne.s32 s18, $0x1  }
.Ltmp1:
0x28: {  	_ = 	snop;
	(pc) =	sbr.rel @p2 .LBB2_2-.Ltmp1, $3  }
0x29: {  	_ = 	snop  }
0x2a: {  	s18 =	sadd.s32 $0xFFFFFFFF, s18;
	s19 =	sadd.s32 $0x80, s19;
	_ =	sdelay $0x1  }
0x2b: {  	[spmem:s1] =	stream.indirect.scatter.add.f32 [tilespmem:s10], [sflag:$0x1], $0x80, s19, s14, $0xb8;
	[tilespmem:$0x1CC00] =	vst v63  }
.LBB2_3:
.Ltmp2:
0x2c: {  	(pc) =	sbr.rel @!p1 .LBB2_5-.Ltmp2, $3  }
0x2d: {  	_ =	sdelay $0x1  }
0x2e: {  	_ =	swait.ge [sflag:s15], $0x4000  }
0x2f: {  	s17 =	sadd.s32 $0xFFFFFFFF, s17;
	[sflag:s15] =	ssyncset.done $0x0  }
.LBB2_4:
0x30: {  	p1 =	sne.s32 s17, $0x1;
	s17 =	sadd.s32 $0xFFFFFFFF, s17;
	[sflag:s15] =	ssyncadd.s32 $0xFFFFC000  }
.Ltmp3:
0x31: {  	(pc) =	sbr.rel @p1 .LBB2_4-.Ltmp3, $3  }
0x32: {  	_ =	sdelay $0x1  }
0x33: {  	_ =	swait.ge [sflag:s15], $0x4000  }
0x34: {  	[sflag:s15] =	ssyncset.done $0x0  }
.LBB2_5:
0x35: {  	s16 =	sadd.s32 $0x1, s16  }
0x36: {  	[sflag:s15] =	ssyncadd.s32 $0xFFFFC000;
	p1 =	sne.s32 s16, s9  }
.Ltmp4:
0x37: {  	[bflag:$0x0] =	sbarrier.arrive $0xFFFF;
	(pc) =	sbr.rel @p1 .LBB2_1-.Ltmp4, $4  }
0x38: {  	[hbm:s8], [sflag:s12] =	dma.local [spmem:s13], $0x2780  }
0x39: {  	_ =	swait.ge [sflag:s11], $0x2780  }
0x3a: {  	[sflag:s11] =	ssyncset.done $0x0  }
0x3b: {  	[sflag:s11] =	ssyncadd.s32 $0xFFFFD880  }
0x3c: {  	_ =	sfence.sel $0x180000  }
0x3d: {  	[bflag:$0x0] =	sbarrier.arrive $0xFFFF  }
0x3e: {  	p0 =	sne.s32 s2, $0x0;
	_ =	strace $0x90000047  }
0x3f: {  	s0 =	sadd.s32 @!p0 $0x100000, s0;
	[bflag:$0x2] =	sbarrier.arrive $0xFFFF  }
0x40: {  	[sflag:s0] =	ssyncadd.tile.s32 @!p0 $0x1;
	_ =	shalt  }
.Lfunc_end2:
_tile_overlayer_lowered:
.L_overlay_start_2:
0x41: {  	(tag) =	ssettag $0x2  }
0x42: {  	s0 =	rddreg [dreg:$0x0];
	s2 =	stileid.u32  }
0x43: {  	s1 =	rddreg [dreg:$0x1];
	p0 =	sne.s32 s2, $0x0  }
0x44: {  	s3 =	rddreg [dreg:$0x2];
	[bflag:$0x3] =	sbarrier.arrive $0xFFFF;
	s2 =	simm.s32 @!p0 $0x1C02  }
0x45: {  	[timem:s3], [sflag:s2] =	dma.local @!p0 [hbm:s0], s1  }
0x46: {  	s0 =	simm.s32 @!p0 $0x2  }
0x47: {  	_ =	swait.ge @!p0 [sflag:s0], s1  }
0x48: {  	s1 =	ssub.s32 @!p0 $0x0, s1;
	[sflag:s0] =	ssyncset.done @!p0 $0x0  }
0x49: {  	[sflag:s0] =	ssyncadd.s32 @!p0 s1  }
0x4a: {  	[bflag:$0x3] =	sbarrier.arrive $0xFFFF  }
0x4b: {  	_ =	shalt  }

</sc_bundles>
